<compile_context>
chip_gen: v7x
topology: tpu7x:2x2x1
jax: 0.10.2.dev20260603
libtpu: 0.0.44.dev20260713+nightly
codegen_flags: <defaults>
</compile_context>

<pallas_src>
import functools

import jax
import jax.numpy as jnp
from jax import lax
from jax.experimental import pallas as pl
from jax.experimental.pallas import tpu as pltpu
from jax.experimental.pallas import tpu_sc as plsc

_B = 2
_C = 10000
_F = 2
_H = 128
_N = 50000
_GB = 112
_SB = 2 * _GB
_NBLK = (_N + _SB - 1) // _SB
_NW = 32
_FULL = _NBLK // _NW

_mesh = plsc.VectorSubcoreMesh(core_axis_name="c", subcore_axis_name="s")


@functools.partial(
    pl.kernel,
    mesh=_mesh,
    out_type=jax.ShapeDtypeStruct((_B, _N, _F, _H), jnp.float32),
    scratch_types=[
        pltpu.VMEM((_FULL, _GB), jnp.int32),
        pltpu.VMEM((_FULL, _GB), jnp.int32),
        pltpu.VMEM((_SB, _F, _H), jnp.float32),
        pltpu.VMEM((_SB, _F, _H), jnp.float32),
        pltpu.SemaphoreType.DMA,
        pltpu.SemaphoreType.DMA,
        pltpu.SemaphoreType.DMA,
        pltpu.SemaphoreType.DMA,
        pltpu.SemaphoreType.DMA,
    ],
)
def _unpool(x_hbm, idx_hbm, out_hbm, idx0, idx1, buf0, buf1,
            isem, gs0, gs1, ss0, ss1):
    idxs = (idx0, idx1)
    bufs = (buf0, buf1)
    gsems = (gs0, gs1)
    ssems = (ss0, ss1)
    wid = lax.axis_index("s") * 2 + lax.axis_index("c")

    start = wid * _FULL

    def base_of(p):
        base = jnp.minimum((start + p) * _SB, _N - _SB)
        return pl.multiple_of(base, 8)

    icopies = [
        pltpu.async_copy(
            idx_hbm.at[pl.ds(base_of(p) + g * _GB, _GB)], idxs[g].at[p], isem)
        for p in range(_FULL)
        for g in range(2)
    ]
    icopies[0].wait()
    icopies[1].wait()

    def gpair(p, b):
        buf = bufs[b]
        sem = gsems[b]
        g0 = pltpu.async_copy(
            x_hbm.at[b].at[idx0.at[p]], buf.at[pl.ds(0, _GB)], sem)
        g1 = pltpu.async_copy(
            x_hbm.at[b].at[idx1.at[p]], buf.at[pl.ds(_GB, _GB)], sem)
        return g0, g1

    def spush(p, b):
        return pltpu.async_copy(
            bufs[b], out_hbm.at[b, pl.ds(base_of(p), _SB)], ssems[b])

    def drain_s(b):
        pltpu.make_async_copy(
            x_hbm.at[0, pl.ds(0, _SB)], bufs[b], ssems[b]).wait()

    def drain_g(b):
        pltpu.make_async_copy(
            x_hbm.at[0, pl.ds(0, _GB)], bufs[b].at[pl.ds(0, _GB)],
            gsems[b]).wait()

    p0 = gpair(0, 0)
    gpair(0, 1)
    for c in icopies[2:]:
        c.wait()
    p0[0].wait()
    p0[1].wait()
    spush(0, 0)

    def body(p, carry):
        drain_s(0)
        gpair(p, 0)
        drain_g(1)
        drain_g(1)
        spush(p - 1, 1)
        drain_s(1)
        gpair(p, 1)
        drain_g(0)
        drain_g(0)
        spush(p, 0)
        return carry

    lax.fori_loop(1, _FULL, body, 0)

    drain_g(1)
    drain_g(1)
    spush(_FULL - 1, 1)
    drain_s(0)
    drain_s(1)


def kernel(x, hierarchy_mapping, num_fine_nodes):
    idx = hierarchy_mapping.astype(jnp.int32)
    return _unpool(x, idx)

# --- scband reference (transcript-rebuilt; emitter-appended) ---
"""Pipeline reference for scband-graph-unpooling-19061064859667 (READ-ONLY COPY).

The authoritative reference and input builder live on the scoring server;
editing this copy changes nothing except your own understanding.
"""

import jax, jax.numpy as jnp
import numpy as np


def setup_inputs(seed: int = 0) -> dict:
    key = jax.random.key(seed)
    k1, k2 = jax.random.split(key)
    x = jax.random.normal(k1, (2, 10000, 2, 128), dtype=jnp.float32)
    # dict {coarse_idx: [fine indices]} is represented densely as an inverse
    # assignment vector: hierarchy_mapping[fine_idx] = coarse_idx (each fine
    # node appears in exactly one coarse group, as in the torch reference where
    # each fine slot is overwritten by its parent coarse feature).
    hierarchy_mapping = jax.random.randint(k2, (50000,), 0, 10000, dtype=jnp.int64)
    return {"x": x, "hierarchy_mapping": hierarchy_mapping, "num_fine_nodes": 50000}


def reference(x, hierarchy_mapping, num_fine_nodes):
    # x: [B, num_coarse, num_features, hidden_dim]
    # For every fine node f: out[:, f] = x[:, hierarchy_mapping[f]]
    # Faithful to the torch loop (scatter-overwrite of each fine slot with its
    # parent coarse feature), expressed as a gather over axis 1.
    n = hierarchy_mapping.shape[0]
    out = jnp.zeros((x.shape[0], n, x.shape[2], x.shape[3]), dtype=x.dtype)
    idx = jnp.arange(n) + (num_fine_nodes - n)
    out = out.at[:, idx].set(jnp.take(x, hierarchy_mapping, axis=1))
    return out

if __name__ == "__main__":
    import jax
    _d = setup_inputs()
    print(jax.jit(kernel)(*tuple(_d.values())))

</pallas_src>

<mosaic_0001>
#map = affine_map<(d0, d1) -> (0, 0, 0, 0)>
#map1 = affine_map<(d0, d1) -> (0)>
module attributes {stable_mosaic.version = 14 : i64} {
  func.func @_unpool(%arg0: i32, %arg1: i32, %arg2: memref<2x10000x2x128xf32, #tpu.memory_space<hbm>>, %arg3: memref<50000xi32, #tpu.memory_space<hbm>>, %arg4: memref<2x50000x2x128xf32, #tpu.memory_space<hbm>>, %arg5: memref<7x112xi32, #tpu.memory_space<vmem>>, %arg6: memref<7x112xi32, #tpu.memory_space<vmem>>, %arg7: memref<224x2x128xf32, #tpu.memory_space<vmem>>, %arg8: memref<224x2x128xf32, #tpu.memory_space<vmem>>, %arg9: memref<!tpu.dma_semaphore, #tpu.memory_space<semaphore_mem>>, %arg10: memref<!tpu.dma_semaphore, #tpu.memory_space<semaphore_mem>>, %arg11: memref<!tpu.dma_semaphore, #tpu.memory_space<semaphore_mem>>, %arg12: memref<!tpu.dma_semaphore, #tpu.memory_space<semaphore_mem>>, %arg13: memref<!tpu.dma_semaphore, #tpu.memory_space<semaphore_mem>>) attributes {dimension_semantics = [#tpu.dimension_semantics<core_parallel>, #tpu.dimension_semantics<subcore_parallel>], iteration_bounds = array<i64: 2, 16>, scalar_prefetch = 0 : i64, scratch_operands = 9 : i64, tpu.core_type = #tpu.core_type<sc_vector_subcore>, window_params = [{transform_indices = #map}, {transform_indices = #map1}, {transform_indices = #map}]} {
    %mul3A = arith.constant 2 : i32
    %mul3A_0 = arith.muli %arg1, %mul3A : i32
    %add3A = arith.addi %mul3A_0, %arg0 : i32
    %mul3A_1 = arith.constant 7 : i32
    %mul3A_2 = arith.muli %add3A, %mul3A_1 : i32
    %add3A_3 = arith.constant 0 : i32
    %add3A_4 = arith.addi %mul3A_2, %add3A_3 : i32
    %mul3A_5 = arith.constant 224 : i32
    %mul3A_6 = arith.muli %add3A_4, %mul3A_5 : i32
    %min3A = arith.constant 49776 : i32
    %min3A_7 = arith.minsi %mul3A_6, %min3A : i32
    %multiple_of3A = tpu.assume_multiple %min3A_7, 8 : i32
    %add3A_8 = arith.constant 0 : i32
    %add3A_9 = arith.addi %multiple_of3A, %add3A_8 : i32
    %dma_start3A = arith.constant 0 : i32
    %dma_start3A_10 = arith.constant 0 : i32
    %dma_start3A_11 = tpu.memref_slice %arg5[%dma_start3A, %dma_start3A_10] : memref<7x112xi32, #tpu.memory_space<vmem>> -> memref<1x112xi32, #tpu.memory_space<vmem>>
    %dma_start3A_12 = tpu.memref_squeeze %dma_start3A_11 : memref<1x112xi32, #tpu.memory_space<vmem>> -> memref<112xi32, #tpu.memory_space<vmem>>
    %dma_start3A_13 = tpu.memref_slice %arg3[%add3A_9] : memref<50000xi32, #tpu.memory_space<hbm>> -> memref<112xi32, #tpu.memory_space<hbm>>
    %dma_start3A_14 = arith.constant 0 : i32
    %dma_start3A_15 = tpu.memref_slice %arg5[%dma_start3A, %dma_start3A_14] : memref<7x112xi32, #tpu.memory_space<vmem>> -> memref<1x112xi32, #tpu.memory_space<vmem>>
    %dma_start3A_16 = tpu.memref_squeeze %dma_start3A_15 : memref<1x112xi32, #tpu.memory_space<vmem>> -> memref<112xi32, #tpu.memory_space<vmem>>
    %dma_start3A_17 = tpu.memref_slice %arg3[%add3A_9] : memref<50000xi32, #tpu.memory_space<hbm>> -> memref<112xi32, #tpu.memory_space<hbm>>
    tpu.enqueue_dma source(%dma_start3A_17 : memref<112xi32, #tpu.memory_space<hbm>>) target(%dma_start3A_16 : memref<112xi32, #tpu.memory_space<vmem>>) target_semaphore(%arg9 : memref<!tpu.dma_semaphore, #tpu.memory_space<semaphore_mem>>)
    %add3A_18 = arith.constant 0 : i32
    %add3A_19 = arith.addi %mul3A_2, %add3A_18 : i32
    %mul3A_20 = arith.constant 224 : i32
    %mul3A_21 = arith.muli %add3A_19, %mul3A_20 : i32
    %min3A_22 = arith.constant 49776 : i32
    %min3A_23 = arith.minsi %mul3A_21, %min3A_22 : i32
    %multiple_of3A_24 = tpu.assume_multiple %min3A_23, 8 : i32
    %add3A_25 = arith.constant 112 : i32
    %add3A_26 = arith.addi %multiple_of3A_24, %add3A_25 : i32
    %dma_start3A_27 = arith.constant 0 : i32
    %dma_start3A_28 = arith.constant 0 : i32
    %dma_start3A_29 = tpu.memref_slice %arg6[%dma_start3A_27, %dma_start3A_28] : memref<7x112xi32, #tpu.memory_space<vmem>> -> memref<1x112xi32, #tpu.memory_space<vmem>>
    %dma_start3A_30 = tpu.memref_squeeze %dma_start3A_29 : memref<1x112xi32, #tpu.memory_space<vmem>> -> memref<112xi32, #tpu.memory_space<vmem>>
    %dma_start3A_31 = tpu.memref_slice %arg3[%add3A_26] : memref<50000xi32, #tpu.memory_space<hbm>> -> memref<112xi32, #tpu.memory_space<hbm>>
    %dma_start3A_32 = arith.constant 0 : i32
    %dma_start3A_33 = tpu.memref_slice %arg6[%dma_start3A_27, %dma_start3A_32] : memref<7x112xi32, #tpu.memory_space<vmem>> -> memref<1x112xi32, #tpu.memory_space<vmem>>
    %dma_start3A_34 = tpu.memref_squeeze %dma_start3A_33 : memref<1x112xi32, #tpu.memory_space<vmem>> -> memref<112xi32, #tpu.memory_space<vmem>>
    %dma_start3A_35 = tpu.memref_slice %arg3[%add3A_26] : memref<50000xi32, #tpu.memory_space<hbm>> -> memref<112xi32, #tpu.memory_space<hbm>>
    tpu.enqueue_dma source(%dma_start3A_35 : memref<112xi32, #tpu.memory_space<hbm>>) target(%dma_start3A_34 : memref<112xi32, #tpu.memory_space<vmem>>) target_semaphore(%arg9 : memref<!tpu.dma_semaphore, #tpu.memory_space<semaphore_mem>>)
    %add3A_36 = arith.constant 1 : i32
    %add3A_37 = arith.addi %mul3A_2, %add3A_36 : i32
    %mul3A_38 = arith.constant 224 : i32
    %mul3A_39 = arith.muli %add3A_37, %mul3A_38 : i32
    %min3A_40 = arith.constant 49776 : i32
    %min3A_41 = arith.minsi %mul3A_39, %min3A_40 : i32
    %multiple_of3A_42 = tpu.assume_multiple %min3A_41, 8 : i32
    %add3A_43 = arith.constant 0 : i32
    %add3A_44 = arith.addi %multiple_of3A_42, %add3A_43 : i32
    %dma_start3A_45 = arith.constant 1 : i32
    %dma_start3A_46 = arith.constant 0 : i32
    %dma_start3A_47 = tpu.memref_slice %arg5[%dma_start3A_45, %dma_start3A_46] : memref<7x112xi32, #tpu.memory_space<vmem>> -> memref<1x112xi32, #tpu.memory_space<vmem>>
    %dma_start3A_48 = tpu.memref_squeeze %dma_start3A_47 : memref<1x112xi32, #tpu.memory_space<vmem>> -> memref<112xi32, #tpu.memory_space<vmem>>
    %dma_start3A_49 = tpu.memref_slice %arg3[%add3A_44] : memref<50000xi32, #tpu.memory_space<hbm>> -> memref<112xi32, #tpu.memory_space<hbm>>
    %dma_start3A_50 = arith.constant 0 : i32
    %dma_start3A_51 = tpu.memref_slice %arg5[%dma_start3A_45, %dma_start3A_50] : memref<7x112xi32, #tpu.memory_space<vmem>> -> memref<1x112xi32, #tpu.memory_space<vmem>>
    %dma_start3A_52 = tpu.memref_squeeze %dma_start3A_51 : memref<1x112xi32, #tpu.memory_space<vmem>> -> memref<112xi32, #tpu.memory_space<vmem>>
    %dma_start3A_53 = tpu.memref_slice %arg3[%add3A_44] : memref<50000xi32, #tpu.memory_space<hbm>> -> memref<112xi32, #tpu.memory_space<hbm>>
    tpu.enqueue_dma source(%dma_start3A_53 : memref<112xi32, #tpu.memory_space<hbm>>) target(%dma_start3A_52 : memref<112xi32, #tpu.memory_space<vmem>>) target_semaphore(%arg9 : memref<!tpu.dma_semaphore, #tpu.memory_space<semaphore_mem>>)
    %add3A_54 = arith.constant 1 : i32
    %add3A_55 = arith.addi %mul3A_2, %add3A_54 : i32
    %mul3A_56 = arith.constant 224 : i32
    %mul3A_57 = arith.muli %add3A_55, %mul3A_56 : i32
    %min3A_58 = arith.constant 49776 : i32
    %min3A_59 = arith.minsi %mul3A_57, %min3A_58 : i32
    %multiple_of3A_60 = tpu.assume_multiple %min3A_59, 8 : i32
    %add3A_61 = arith.constant 112 : i32
    %add3A_62 = arith.addi %multiple_of3A_60, %add3A_61 : i32
    %dma_start3A_63 = arith.constant 1 : i32
    %dma_start3A_64 = arith.constant 0 : i32
    %dma_start3A_65 = tpu.memref_slice %arg6[%dma_start3A_63, %dma_start3A_64] : memref<7x112xi32, #tpu.memory_space<vmem>> -> memref<1x112xi32, #tpu.memory_space<vmem>>
    %dma_start3A_66 = tpu.memref_squeeze %dma_start3A_65 : memref<1x112xi32, #tpu.memory_space<vmem>> -> memref<112xi32, #tpu.memory_space<vmem>>
    %dma_start3A_67 = tpu.memref_slice %arg3[%add3A_62] : memref<50000xi32, #tpu.memory_space<hbm>> -> memref<112xi32, #tpu.memory_space<hbm>>
    %dma_start3A_68 = arith.constant 0 : i32
    %dma_start3A_69 = tpu.memref_slice %arg6[%dma_start3A_63, %dma_start3A_68] : memref<7x112xi32, #tpu.memory_space<vmem>> -> memref<1x112xi32, #tpu.memory_space<vmem>>
    %dma_start3A_70 = tpu.memref_squeeze %dma_start3A_69 : memref<1x112xi32, #tpu.memory_space<vmem>> -> memref<112xi32, #tpu.memory_space<vmem>>
    %dma_start3A_71 = tpu.memref_slice %arg3[%add3A_62] : memref<50000xi32, #tpu.memory_space<hbm>> -> memref<112xi32, #tpu.memory_space<hbm>>
    tpu.enqueue_dma source(%dma_start3A_71 : memref<112xi32, #tpu.memory_space<hbm>>) target(%dma_start3A_70 : memref<112xi32, #tpu.memory_space<vmem>>) target_semaphore(%arg9 : memref<!tpu.dma_semaphore, #tpu.memory_space<semaphore_mem>>)
    %add3A_72 = arith.constant 2 : i32
    %add3A_73 = arith.addi %mul3A_2, %add3A_72 : i32
    %mul3A_74 = arith.constant 224 : i32
    %mul3A_75 = arith.muli %add3A_73, %mul3A_74 : i32
    %min3A_76 = arith.constant 49776 : i32
    %min3A_77 = arith.minsi %mul3A_75, %min3A_76 : i32
    %multiple_of3A_78 = tpu.assume_multiple %min3A_77, 8 : i32
    %add3A_79 = arith.constant 0 : i32
    %add3A_80 = arith.addi %multiple_of3A_78, %add3A_79 : i32
    %dma_start3A_81 = arith.constant 2 : i32
    %dma_start3A_82 = arith.constant 0 : i32
    %dma_start3A_83 = tpu.memref_slice %arg5[%dma_start3A_81, %dma_start3A_82] : memref<7x112xi32, #tpu.memory_space<vmem>> -> memref<1x112xi32, #tpu.memory_space<vmem>>
    %dma_start3A_84 = tpu.memref_squeeze %dma_start3A_83 : memref<1x112xi32, #tpu.memory_space<vmem>> -> memref<112xi32, #tpu.memory_space<vmem>>
    %dma_start3A_85 = tpu.memref_slice %arg3[%add3A_80] : memref<50000xi32, #tpu.memory_space<hbm>> -> memref<112xi32, #tpu.memory_space<hbm>>
    %dma_start3A_86 = arith.constant 0 : i32
    %dma_start3A_87 = tpu.memref_slice %arg5[%dma_start3A_81, %dma_start3A_86] : memref<7x112xi32, #tpu.memory_space<vmem>> -> memref<1x112xi32, #tpu.memory_space<vmem>>
    %dma_start3A_88 = tpu.memref_squeeze %dma_start3A_87 : memref<1x112xi32, #tpu.memory_space<vmem>> -> memref<112xi32, #tpu.memory_space<vmem>>
    %dma_start3A_89 = tpu.memref_slice %arg3[%add3A_80] : memref<50000xi32, #tpu.memory_space<hbm>> -> memref<112xi32, #tpu.memory_space<hbm>>
    tpu.enqueue_dma source(%dma_start3A_89 : memref<112xi32, #tpu.memory_space<hbm>>) target(%dma_start3A_88 : memref<112xi32, #tpu.memory_space<vmem>>) target_semaphore(%arg9 : memref<!tpu.dma_semaphore, #tpu.memory_space<semaphore_mem>>)
    %add3A_90 = arith.constant 2 : i32
    %add3A_91 = arith.addi %mul3A_2, %add3A_90 : i32
    %mul3A_92 = arith.constant 224 : i32
    %mul3A_93 = arith.muli %add3A_91, %mul3A_92 : i32
    %min3A_94 = arith.constant 49776 : i32
    %min3A_95 = arith.minsi %mul3A_93, %min3A_94 : i32
    %multiple_of3A_96 = tpu.assume_multiple %min3A_95, 8 : i32
    %add3A_97 = arith.constant 112 : i32
    %add3A_98 = arith.addi %multiple_of3A_96, %add3A_97 : i32
    %dma_start3A_99 = arith.constant 2 : i32
    %dma_start3A_100 = arith.constant 0 : i32
    %dma_start3A_101 = tpu.memref_slice %arg6[%dma_start3A_99, %dma_start3A_100] : memref<7x112xi32, #tpu.memory_space<vmem>> -> memref<1x112xi32, #tpu.memory_space<vmem>>
    %dma_start3A_102 = tpu.memref_squeeze %dma_start3A_101 : memref<1x112xi32, #tpu.memory_space<vmem>> -> memref<112xi32, #tpu.memory_space<vmem>>
    %dma_start3A_103 = tpu.memref_slice %arg3[%add3A_98] : memref<50000xi32, #tpu.memory_space<hbm>> -> memref<112xi32, #tpu.memory_space<hbm>>
    %dma_start3A_104 = arith.constant 0 : i32
    %dma_start3A_105 = tpu.memref_slice %arg6[%dma_start3A_99, %dma_start3A_104] : memref<7x112xi32, #tpu.memory_space<vmem>> -> memref<1x112xi32, #tpu.memory_space<vmem>>
    %dma_start3A_106 = tpu.memref_squeeze %dma_start3A_105 : memref<1x112xi32, #tpu.memory_space<vmem>> -> memref<112xi32, #tpu.memory_space<vmem>>
    %dma_start3A_107 = tpu.memref_slice %arg3[%add3A_98] : memref<50000xi32, #tpu.memory_space<hbm>> -> memref<112xi32, #tpu.memory_space<hbm>>
    tpu.enqueue_dma source(%dma_start3A_107 : memref<112xi32, #tpu.memory_space<hbm>>) target(%dma_start3A_106 : memref<112xi32, #tpu.memory_space<vmem>>) target_semaphore(%arg9 : memref<!tpu.dma_semaphore, #tpu.memory_space<semaphore_mem>>)
    %add3A_108 = arith.constant 3 : i32
    %add3A_109 = arith.addi %mul3A_2, %add3A_108 : i32
    %mul3A_110 = arith.constant 224 : i32
    %mul3A_111 = arith.muli %add3A_109, %mul3A_110 : i32
    %min3A_112 = arith.constant 49776 : i32
    %min3A_113 = arith.minsi %mul3A_111, %min3A_112 : i32
    %multiple_of3A_114 = tpu.assume_multiple %min3A_113, 8 : i32
    %add3A_115 = arith.constant 0 : i32
    %add3A_116 = arith.addi %multiple_of3A_114, %add3A_115 : i32
    %dma_start3A_117 = arith.constant 3 : i32
    %dma_start3A_118 = arith.constant 0 : i32
    %dma_start3A_119 = tpu.memref_slice %arg5[%dma_start3A_117, %dma_start3A_118] : memref<7x112xi32, #tpu.memory_space<vmem>> -> memref<1x112xi32, #tpu.memory_space<vmem>>
    %dma_start3A_120 = tpu.memref_squeeze %dma_start3A_119 : memref<1x112xi32, #tpu.memory_space<vmem>> -> memref<112xi32, #tpu.memory_space<vmem>>
    %dma_start3A_121 = tpu.memref_slice %arg3[%add3A_116] : memref<50000xi32, #tpu.memory_space<hbm>> -> memref<112xi32, #tpu.memory_space<hbm>>
    %dma_start3A_122 = arith.constant 0 : i32
    %dma_start3A_123 = tpu.memref_slice %arg5[%dma_start3A_117, %dma_start3A_122] : memref<7x112xi32, #tpu.memory_space<vmem>> -> memref<1x112xi32, #tpu.memory_space<vmem>>
    %dma_start3A_124 = tpu.memref_squeeze %dma_start3A_123 : memref<1x112xi32, #tpu.memory_space<vmem>> -> memref<112xi32, #tpu.memory_space<vmem>>
    %dma_start3A_125 = tpu.memref_slice %arg3[%add3A_116] : memref<50000xi32, #tpu.memory_space<hbm>> -> memref<112xi32, #tpu.memory_space<hbm>>
    tpu.enqueue_dma source(%dma_start3A_125 : memref<112xi32, #tpu.memory_space<hbm>>) target(%dma_start3A_124 : memref<112xi32, #tpu.memory_space<vmem>>) target_semaphore(%arg9 : memref<!tpu.dma_semaphore, #tpu.memory_space<semaphore_mem>>)
    %add3A_126 = arith.constant 3 : i32
    %add3A_127 = arith.addi %mul3A_2, %add3A_126 : i32
    %mul3A_128 = arith.constant 224 : i32
    %mul3A_129 = arith.muli %add3A_127, %mul3A_128 : i32
    %min3A_130 = arith.constant 49776 : i32
    %min3A_131 = arith.minsi %mul3A_129, %min3A_130 : i32
    %multiple_of3A_132 = tpu.assume_multiple %min3A_131, 8 : i32
    %add3A_133 = arith.constant 112 : i32
    %add3A_134 = arith.addi %multiple_of3A_132, %add3A_133 : i32
    %dma_start3A_135 = arith.constant 3 : i32
    %dma_start3A_136 = arith.constant 0 : i32
    %dma_start3A_137 = tpu.memref_slice %arg6[%dma_start3A_135, %dma_start3A_136] : memref<7x112xi32, #tpu.memory_space<vmem>> -> memref<1x112xi32, #tpu.memory_space<vmem>>
    %dma_start3A_138 = tpu.memref_squeeze %dma_start3A_137 : memref<1x112xi32, #tpu.memory_space<vmem>> -> memref<112xi32, #tpu.memory_space<vmem>>
    %dma_start3A_139 = tpu.memref_slice %arg3[%add3A_134] : memref<50000xi32, #tpu.memory_space<hbm>> -> memref<112xi32, #tpu.memory_space<hbm>>
    %dma_start3A_140 = arith.constant 0 : i32
    %dma_start3A_141 = tpu.memref_slice %arg6[%dma_start3A_135, %dma_start3A_140] : memref<7x112xi32, #tpu.memory_space<vmem>> -> memref<1x112xi32, #tpu.memory_space<vmem>>
    %dma_start3A_142 = tpu.memref_squeeze %dma_start3A_141 : memref<1x112xi32, #tpu.memory_space<vmem>> -> memref<112xi32, #tpu.memory_space<vmem>>
    %dma_start3A_143 = tpu.memref_slice %arg3[%add3A_134] : memref<50000xi32, #tpu.memory_space<hbm>> -> memref<112xi32, #tpu.memory_space<hbm>>
    tpu.enqueue_dma source(%dma_start3A_143 : memref<112xi32, #tpu.memory_space<hbm>>) target(%dma_start3A_142 : memref<112xi32, #tpu.memory_space<vmem>>) target_semaphore(%arg9 : memref<!tpu.dma_semaphore, #tpu.memory_space<semaphore_mem>>)
    %add3A_144 = arith.constant 4 : i32
    %add3A_145 = arith.addi %mul3A_2, %add3A_144 : i32
    %mul3A_146 = arith.constant 224 : i32
    %mul3A_147 = arith.muli %add3A_145, %mul3A_146 : i32
    %min3A_148 = arith.constant 49776 : i32
    %min3A_149 = arith.minsi %mul3A_147, %min3A_148 : i32
    %multiple_of3A_150 = tpu.assume_multiple %min3A_149, 8 : i32
    %add3A_151 = arith.constant 0 : i32
    %add3A_152 = arith.addi %multiple_of3A_150, %add3A_151 : i32
    %dma_start3A_153 = arith.constant 4 : i32
    %dma_start3A_154 = arith.constant 0 : i32
    %dma_start3A_155 = tpu.memref_slice %arg5[%dma_start3A_153, %dma_start3A_154] : memref<7x112xi32, #tpu.memory_space<vmem>> -> memref<1x112xi32, #tpu.memory_space<vmem>>
    %dma_start3A_156 = tpu.memref_squeeze %dma_start3A_155 : memref<1x112xi32, #tpu.memory_space<vmem>> -> memref<112xi32, #tpu.memory_space<vmem>>
    %dma_start3A_157 = tpu.memref_slice %arg3[%add3A_152] : memref<50000xi32, #tpu.memory_space<hbm>> -> memref<112xi32, #tpu.memory_space<hbm>>
    %dma_start3A_158 = arith.constant 0 : i32
    %dma_start3A_159 = tpu.memref_slice %arg5[%dma_start3A_153, %dma_start3A_158] : memref<7x112xi32, #tpu.memory_space<vmem>> -> memref<1x112xi32, #tpu.memory_space<vmem>>
    %dma_start3A_160 = tpu.memref_squeeze %dma_start3A_159 : memref<1x112xi32, #tpu.memory_space<vmem>> -> memref<112xi32, #tpu.memory_space<vmem>>
    %dma_start3A_161 = tpu.memref_slice %arg3[%add3A_152] : memref<50000xi32, #tpu.memory_space<hbm>> -> memref<112xi32, #tpu.memory_space<hbm>>
    tpu.enqueue_dma source(%dma_start3A_161 : memref<112xi32, #tpu.memory_space<hbm>>) target(%dma_start3A_160 : memref<112xi32, #tpu.memory_space<vmem>>) target_semaphore(%arg9 : memref<!tpu.dma_semaphore, #tpu.memory_space<semaphore_mem>>)
    %add3A_162 = arith.constant 4 : i32
    %add3A_163 = arith.addi %mul3A_2, %add3A_162 : i32
    %mul3A_164 = arith.constant 224 : i32
    %mul3A_165 = arith.muli %add3A_163, %mul3A_164 : i32
    %min3A_166 = arith.constant 49776 : i32
    %min3A_167 = arith.minsi %mul3A_165, %min3A_166 : i32
    %multiple_of3A_168 = tpu.assume_multiple %min3A_167, 8 : i32
    %add3A_169 = arith.constant 112 : i32
    %add3A_170 = arith.addi %multiple_of3A_168, %add3A_169 : i32
    %dma_start3A_171 = arith.constant 4 : i32
    %dma_start3A_172 = arith.constant 0 : i32
    %dma_start3A_173 = tpu.memref_slice %arg6[%dma_start3A_171, %dma_start3A_172] : memref<7x112xi32, #tpu.memory_space<vmem>> -> memref<1x112xi32, #tpu.memory_space<vmem>>
    %dma_start3A_174 = tpu.memref_squeeze %dma_start3A_173 : memref<1x112xi32, #tpu.memory_space<vmem>> -> memref<112xi32, #tpu.memory_space<vmem>>
    %dma_start3A_175 = tpu.memref_slice %arg3[%add3A_170] : memref<50000xi32, #tpu.memory_space<hbm>> -> memref<112xi32, #tpu.memory_space<hbm>>
    %dma_start3A_176 = arith.constant 0 : i32
    %dma_start3A_177 = tpu.memref_slice %arg6[%dma_start3A_171, %dma_start3A_176] : memref<7x112xi32, #tpu.memory_space<vmem>> -> memref<1x112xi32, #tpu.memory_space<vmem>>
    %dma_start3A_178 = tpu.memref_squeeze %dma_start3A_177 : memref<1x112xi32, #tpu.memory_space<vmem>> -> memref<112xi32, #tpu.memory_space<vmem>>
    %dma_start3A_179 = tpu.memref_slice %arg3[%add3A_170] : memref<50000xi32, #tpu.memory_space<hbm>> -> memref<112xi32, #tpu.memory_space<hbm>>
    tpu.enqueue_dma source(%dma_start3A_179 : memref<112xi32, #tpu.memory_space<hbm>>) target(%dma_start3A_178 : memref<112xi32, #tpu.memory_space<vmem>>) target_semaphore(%arg9 : memref<!tpu.dma_semaphore, #tpu.memory_space<semaphore_mem>>)
    %add3A_180 = arith.constant 5 : i32
    %add3A_181 = arith.addi %mul3A_2, %add3A_180 : i32
    %mul3A_182 = arith.constant 224 : i32
    %mul3A_183 = arith.muli %add3A_181, %mul3A_182 : i32
    %min3A_184 = arith.constant 49776 : i32
    %min3A_185 = arith.minsi %mul3A_183, %min3A_184 : i32
    %multiple_of3A_186 = tpu.assume_multiple %min3A_185, 8 : i32
    %add3A_187 = arith.constant 0 : i32
    %add3A_188 = arith.addi %multiple_of3A_186, %add3A_187 : i32
    %dma_start3A_189 = arith.constant 5 : i32
    %dma_start3A_190 = arith.constant 0 : i32
    %dma_start3A_191 = tpu.memref_slice %arg5[%dma_start3A_189, %dma_start3A_190] : memref<7x112xi32, #tpu.memory_space<vmem>> -> memref<1x112xi32, #tpu.memory_space<vmem>>
    %dma_start3A_192 = tpu.memref_squeeze %dma_start3A_191 : memref<1x112xi32, #tpu.memory_space<vmem>> -> memref<112xi32, #tpu.memory_space<vmem>>
    %dma_start3A_193 = tpu.memref_slice %arg3[%add3A_188] : memref<50000xi32, #tpu.memory_space<hbm>> -> memref<112xi32, #tpu.memory_space<hbm>>
    %dma_start3A_194 = arith.constant 0 : i32
    %dma_start3A_195 = tpu.memref_slice %arg5[%dma_start3A_189, %dma_start3A_194] : memref<7x112xi32, #tpu.memory_space<vmem>> -> memref<1x112xi32, #tpu.memory_space<vmem>>
    %dma_start3A_196 = tpu.memref_squeeze %dma_start3A_195 : memref<1x112xi32, #tpu.memory_space<vmem>> -> memref<112xi32, #tpu.memory_space<vmem>>
    %dma_start3A_197 = tpu.memref_slice %arg3[%add3A_188] : memref<50000xi32, #tpu.memory_space<hbm>> -> memref<112xi32, #tpu.memory_space<hbm>>
    tpu.enqueue_dma source(%dma_start3A_197 : memref<112xi32, #tpu.memory_space<hbm>>) target(%dma_start3A_196 : memref<112xi32, #tpu.memory_space<vmem>>) target_semaphore(%arg9 : memref<!tpu.dma_semaphore, #tpu.memory_space<semaphore_mem>>)
    %add3A_198 = arith.constant 5 : i32
    %add3A_199 = arith.addi %mul3A_2, %add3A_198 : i32
    %mul3A_200 = arith.constant 224 : i32
    %mul3A_201 = arith.muli %add3A_199, %mul3A_200 : i32
    %min3A_202 = arith.constant 49776 : i32
    %min3A_203 = arith.minsi %mul3A_201, %min3A_202 : i32
    %multiple_of3A_204 = tpu.assume_multiple %min3A_203, 8 : i32
    %add3A_205 = arith.constant 112 : i32
    %add3A_206 = arith.addi %multiple_of3A_204, %add3A_205 : i32
    %dma_start3A_207 = arith.constant 5 : i32
    %dma_start3A_208 = arith.constant 0 : i32
    %dma_start3A_209 = tpu.memref_slice %arg6[%dma_start3A_207, %dma_start3A_208] : memref<7x112xi32, #tpu.memory_space<vmem>> -> memref<1x112xi32, #tpu.memory_space<vmem>>
    %dma_start3A_210 = tpu.memref_squeeze %dma_start3A_209 : memref<1x112xi32, #tpu.memory_space<vmem>> -> memref<112xi32, #tpu.memory_space<vmem>>
    %dma_start3A_211 = tpu.memref_slice %arg3[%add3A_206] : memref<50000xi32, #tpu.memory_space<hbm>> -> memref<112xi32, #tpu.memory_space<hbm>>
    %dma_start3A_212 = arith.constant 0 : i32
    %dma_start3A_213 = tpu.memref_slice %arg6[%dma_start3A_207, %dma_start3A_212] : memref<7x112xi32, #tpu.memory_space<vmem>> -> memref<1x112xi32, #tpu.memory_space<vmem>>
    %dma_start3A_214 = tpu.memref_squeeze %dma_start3A_213 : memref<1x112xi32, #tpu.memory_space<vmem>> -> memref<112xi32, #tpu.memory_space<vmem>>
    %dma_start3A_215 = tpu.memref_slice %arg3[%add3A_206] : memref<50000xi32, #tpu.memory_space<hbm>> -> memref<112xi32, #tpu.memory_space<hbm>>
    tpu.enqueue_dma source(%dma_start3A_215 : memref<112xi32, #tpu.memory_space<hbm>>) target(%dma_start3A_214 : memref<112xi32, #tpu.memory_space<vmem>>) target_semaphore(%arg9 : memref<!tpu.dma_semaphore, #tpu.memory_space<semaphore_mem>>)
    %add3A_216 = arith.constant 6 : i32
    %add3A_217 = arith.addi %mul3A_2, %add3A_216 : i32
    %mul3A_218 = arith.constant 224 : i32
    %mul3A_219 = arith.muli %add3A_217, %mul3A_218 : i32
    %min3A_220 = arith.constant 49776 : i32
    %min3A_221 = arith.minsi %mul3A_219, %min3A_220 : i32
    %multiple_of3A_222 = tpu.assume_multiple %min3A_221, 8 : i32
    %add3A_223 = arith.constant 0 : i32
    %add3A_224 = arith.addi %multiple_of3A_222, %add3A_223 : i32
    %dma_start3A_225 = arith.constant 6 : i32
    %dma_start3A_226 = arith.constant 0 : i32
    %dma_start3A_227 = tpu.memref_slice %arg5[%dma_start3A_225, %dma_start3A_226] : memref<7x112xi32, #tpu.memory_space<vmem>> -> memref<1x112xi32, #tpu.memory_space<vmem>>
    %dma_start3A_228 = tpu.memref_squeeze %dma_start3A_227 : memref<1x112xi32, #tpu.memory_space<vmem>> -> memref<112xi32, #tpu.memory_space<vmem>>
    %dma_start3A_229 = tpu.memref_slice %arg3[%add3A_224] : memref<50000xi32, #tpu.memory_space<hbm>> -> memref<112xi32, #tpu.memory_space<hbm>>
    %dma_start3A_230 = arith.constant 0 : i32
    %dma_start3A_231 = tpu.memref_slice %arg5[%dma_start3A_225, %dma_start3A_230] : memref<7x112xi32, #tpu.memory_space<vmem>> -> memref<1x112xi32, #tpu.memory_space<vmem>>
    %dma_start3A_232 = tpu.memref_squeeze %dma_start3A_231 : memref<1x112xi32, #tpu.memory_space<vmem>> -> memref<112xi32, #tpu.memory_space<vmem>>
    %dma_start3A_233 = tpu.memref_slice %arg3[%add3A_224] : memref<50000xi32, #tpu.memory_space<hbm>> -> memref<112xi32, #tpu.memory_space<hbm>>
    tpu.enqueue_dma source(%dma_start3A_233 : memref<112xi32, #tpu.memory_space<hbm>>) target(%dma_start3A_232 : memref<112xi32, #tpu.memory_space<vmem>>) target_semaphore(%arg9 : memref<!tpu.dma_semaphore, #tpu.memory_space<semaphore_mem>>)
    %add3A_234 = arith.constant 6 : i32
    %add3A_235 = arith.addi %mul3A_2, %add3A_234 : i32
    %mul3A_236 = arith.constant 224 : i32
    %mul3A_237 = arith.muli %add3A_235, %mul3A_236 : i32
    %min3A_238 = arith.constant 49776 : i32
    %min3A_239 = arith.minsi %mul3A_237, %min3A_238 : i32
    %multiple_of3A_240 = tpu.assume_multiple %min3A_239, 8 : i32
    %add3A_241 = arith.constant 112 : i32
    %add3A_242 = arith.addi %multiple_of3A_240, %add3A_241 : i32
    %dma_start3A_243 = arith.constant 6 : i32
    %dma_start3A_244 = arith.constant 0 : i32
    %dma_start3A_245 = tpu.memref_slice %arg6[%dma_start3A_243, %dma_start3A_244] : memref<7x112xi32, #tpu.memory_space<vmem>> -> memref<1x112xi32, #tpu.memory_space<vmem>>
    %dma_start3A_246 = tpu.memref_squeeze %dma_start3A_245 : memref<1x112xi32, #tpu.memory_space<vmem>> -> memref<112xi32, #tpu.memory_space<vmem>>
    %dma_start3A_247 = tpu.memref_slice %arg3[%add3A_242] : memref<50000xi32, #tpu.memory_space<hbm>> -> memref<112xi32, #tpu.memory_space<hbm>>
    %dma_start3A_248 = arith.constant 0 : i32
    %dma_start3A_249 = tpu.memref_slice %arg6[%dma_start3A_243, %dma_start3A_248] : memref<7x112xi32, #tpu.memory_space<vmem>> -> memref<1x112xi32, #tpu.memory_space<vmem>>
    %dma_start3A_250 = tpu.memref_squeeze %dma_start3A_249 : memref<1x112xi32, #tpu.memory_space<vmem>> -> memref<112xi32, #tpu.memory_space<vmem>>
    %dma_start3A_251 = tpu.memref_slice %arg3[%add3A_242] : memref<50000xi32, #tpu.memory_space<hbm>> -> memref<112xi32, #tpu.memory_space<hbm>>
    tpu.enqueue_dma source(%dma_start3A_251 : memref<112xi32, #tpu.memory_space<hbm>>) target(%dma_start3A_250 : memref<112xi32, #tpu.memory_space<vmem>>) target_semaphore(%arg9 : memref<!tpu.dma_semaphore, #tpu.memory_space<semaphore_mem>>)
    %dma_wait3A = arith.constant 0 : i32
    %dma_wait3A_252 = arith.constant 0 : i32
    %dma_wait3A_253 = tpu.memref_slice %arg5[%dma_wait3A, %dma_wait3A_252] : memref<7x112xi32, #tpu.memory_space<vmem>> -> memref<1x112xi32, #tpu.memory_space<vmem>>
    %dma_wait3A_254 = tpu.memref_squeeze %dma_wait3A_253 : memref<1x112xi32, #tpu.memory_space<vmem>> -> memref<112xi32, #tpu.memory_space<vmem>>
    %dma_wait3A_255 = tpu.memref_slice %arg3[%add3A_9] : memref<50000xi32, #tpu.memory_space<hbm>> -> memref<112xi32, #tpu.memory_space<hbm>>
    %dma_wait3A_256 = arith.constant 0 : i32
    %dma_wait3A_257 = tpu.memref_slice %arg5[%dma_wait3A, %dma_wait3A_256] : memref<7x112xi32, #tpu.memory_space<vmem>> -> memref<1x112xi32, #tpu.memory_space<vmem>>
    %dma_wait3A_258 = tpu.memref_squeeze %dma_wait3A_257 : memref<1x112xi32, #tpu.memory_space<vmem>> -> memref<112xi32, #tpu.memory_space<vmem>>
    %dma_wait3A_259 = tpu.memref_slice %arg3[%add3A_9] : memref<50000xi32, #tpu.memory_space<hbm>> -> memref<112xi32, #tpu.memory_space<hbm>>
    tpu.wait_dma2 semaphore(%arg9 : memref<!tpu.dma_semaphore, #tpu.memory_space<semaphore_mem>>) src(%dma_wait3A_259 : memref<112xi32, #tpu.memory_space<hbm>>) dst(%dma_wait3A_258 : memref<112xi32, #tpu.memory_space<vmem>>)
    %dma_wait3A_260 = arith.constant 0 : i32
    %dma_wait3A_261 = arith.constant 0 : i32
    %dma_wait3A_262 = tpu.memref_slice %arg6[%dma_wait3A_260, %dma_wait3A_261] : memref<7x112xi32, #tpu.memory_space<vmem>> -> memref<1x112xi32, #tpu.memory_space<vmem>>
    %dma_wait3A_263 = tpu.memref_squeeze %dma_wait3A_262 : memref<1x112xi32, #tpu.memory_space<vmem>> -> memref<112xi32, #tpu.memory_space<vmem>>
    %dma_wait3A_264 = tpu.memref_slice %arg3[%add3A_26] : memref<50000xi32, #tpu.memory_space<hbm>> -> memref<112xi32, #tpu.memory_space<hbm>>
    %dma_wait3A_265 = arith.constant 0 : i32
    %dma_wait3A_266 = tpu.memref_slice %arg6[%dma_wait3A_260, %dma_wait3A_265] : memref<7x112xi32, #tpu.memory_space<vmem>> -> memref<1x112xi32, #tpu.memory_space<vmem>>
    %dma_wait3A_267 = tpu.memref_squeeze %dma_wait3A_266 : memref<1x112xi32, #tpu.memory_space<vmem>> -> memref<112xi32, #tpu.memory_space<vmem>>
    %dma_wait3A_268 = tpu.memref_slice %arg3[%add3A_26] : memref<50000xi32, #tpu.memory_space<hbm>> -> memref<112xi32, #tpu.memory_space<hbm>>
    tpu.wait_dma2 semaphore(%arg9 : memref<!tpu.dma_semaphore, #tpu.memory_space<semaphore_mem>>) src(%dma_wait3A_268 : memref<112xi32, #tpu.memory_space<hbm>>) dst(%dma_wait3A_267 : memref<112xi32, #tpu.memory_space<vmem>>)
    %dma_start3A_269 = arith.constant 0 : i32
    %dma_start3A_270 = arith.constant 0 : i32
    %dma_start3A_271 = arith.constant 0 : i32
    %dma_start3A_272 = arith.constant 0 : i32
    %dma_start3A_273 = arith.constant 0 : i32
    %dma_start3A_274 = tpu.memref_slice %arg7[%dma_start3A_271, %dma_start3A_272, %dma_start3A_273] : memref<224x2x128xf32, #tpu.memory_space<vmem>> -> memref<112x2x128xf32, #tpu.memory_space<vmem>>
    %dma_start3A_275 = arith.constant 0 : i32
    %dma_start3A_276 = tpu.memref_slice %arg5[%dma_start3A_270, %dma_start3A_275] : memref<7x112xi32, #tpu.memory_space<vmem>> -> memref<1x112xi32, #tpu.memory_space<vmem>>
    %dma_start3A_277 = tpu.memref_squeeze %dma_start3A_276 : memref<1x112xi32, #tpu.memory_space<vmem>> -> memref<112xi32, #tpu.memory_space<vmem>>
    %dma_start3A_278 = arith.constant 0 : i32
    %dma_start3A_279 = arith.constant 0 : i32
    %dma_start3A_280 = arith.constant 0 : i32
    %dma_start3A_281 = tpu.memref_slice %arg2[%dma_start3A_269, %dma_start3A_278, %dma_start3A_279, %dma_start3A_280] : memref<2x10000x2x128xf32, #tpu.memory_space<hbm>> -> memref<1x10000x2x128xf32, #tpu.memory_space<hbm>>
    %dma_start3A_282 = tpu.memref_squeeze %dma_start3A_281 : memref<1x10000x2x128xf32, #tpu.memory_space<hbm>> -> memref<10000x2x128xf32, #tpu.memory_space<hbm>>
    %dma_start3A_283 = arith.constant 0 : i32
    %dma_start3A_284 = arith.constant 0 : i32
    %dma_start3A_285 = arith.constant 0 : i32
    %dma_start3A_286 = tpu.memref_slice %dma_start3A_282[%dma_start3A_283, %dma_start3A_284, %dma_start3A_285] : memref<10000x2x128xf32, #tpu.memory_space<hbm>> -> memref<10000x2x128xf32, #tpu.memory_space<hbm>>
    tpu.enqueue_indirect_dma source(%dma_start3A_286 : memref<10000x2x128xf32, #tpu.memory_space<hbm>>) target(%dma_start3A_274 : memref<112x2x128xf32, #tpu.memory_space<vmem>>) offsets(%dma_start3A_277 : memref<112xi32, #tpu.memory_space<vmem>>) semaphore(%arg10 : memref<!tpu.dma_semaphore, #tpu.memory_space<semaphore_mem>>)
    %dma_start3A_287 = arith.constant 0 : i32
    %dma_start3A_288 = arith.constant 0 : i32
    %dma_start3A_289 = arith.constant 112 : i32
    %dma_start3A_290 = arith.constant 0 : i32
    %dma_start3A_291 = arith.constant 0 : i32
    %dma_start3A_292 = tpu.memref_slice %arg7[%dma_start3A_289, %dma_start3A_290, %dma_start3A_291] : memref<224x2x128xf32, #tpu.memory_space<vmem>> -> memref<112x2x128xf32, #tpu.memory_space<vmem>>
    %dma_start3A_293 = arith.constant 0 : i32
    %dma_start3A_294 = tpu.memref_slice %arg6[%dma_start3A_288, %dma_start3A_293] : memref<7x112xi32, #tpu.memory_space<vmem>> -> memref<1x112xi32, #tpu.memory_space<vmem>>
    %dma_start3A_295 = tpu.memref_squeeze %dma_start3A_294 : memref<1x112xi32, #tpu.memory_space<vmem>> -> memref<112xi32, #tpu.memory_space<vmem>>
    %dma_start3A_296 = arith.constant 0 : i32
    %dma_start3A_297 = arith.constant 0 : i32
    %dma_start3A_298 = arith.constant 0 : i32
    %dma_start3A_299 = tpu.memref_slice %arg2[%dma_start3A_287, %dma_start3A_296, %dma_start3A_297, %dma_start3A_298] : memref<2x10000x2x128xf32, #tpu.memory_space<hbm>> -> memref<1x10000x2x128xf32, #tpu.memory_space<hbm>>
    %dma_start3A_300 = tpu.memref_squeeze %dma_start3A_299 : memref<1x10000x2x128xf32, #tpu.memory_space<hbm>> -> memref<10000x2x128xf32, #tpu.memory_space<hbm>>
    %dma_start3A_301 = arith.constant 0 : i32
    %dma_start3A_302 = arith.constant 0 : i32
    %dma_start3A_303 = arith.constant 0 : i32
    %dma_start3A_304 = tpu.memref_slice %dma_start3A_300[%dma_start3A_301, %dma_start3A_302, %dma_start3A_303] : memref<10000x2x128xf32, #tpu.memory_space<hbm>> -> memref<10000x2x128xf32, #tpu.memory_space<hbm>>
    tpu.enqueue_indirect_dma source(%dma_start3A_304 : memref<10000x2x128xf32, #tpu.memory_space<hbm>>) target(%dma_start3A_292 : memref<112x2x128xf32, #tpu.memory_space<vmem>>) offsets(%dma_start3A_295 : memref<112xi32, #tpu.memory_space<vmem>>) semaphore(%arg10 : memref<!tpu.dma_semaphore, #tpu.memory_space<semaphore_mem>>)
    %dma_start3A_305 = arith.constant 1 : i32
    %dma_start3A_306 = arith.constant 0 : i32
    %dma_start3A_307 = arith.constant 0 : i32
    %dma_start3A_308 = arith.constant 0 : i32
    %dma_start3A_309 = arith.constant 0 : i32
    %dma_start3A_310 = tpu.memref_slice %arg8[%dma_start3A_307, %dma_start3A_308, %dma_start3A_309] : memref<224x2x128xf32, #tpu.memory_space<vmem>> -> memref<112x2x128xf32, #tpu.memory_space<vmem>>
    %dma_start3A_311 = arith.constant 0 : i32
    %dma_start3A_312 = tpu.memref_slice %arg5[%dma_start3A_306, %dma_start3A_311] : memref<7x112xi32, #tpu.memory_space<vmem>> -> memref<1x112xi32, #tpu.memory_space<vmem>>
    %dma_start3A_313 = tpu.memref_squeeze %dma_start3A_312 : memref<1x112xi32, #tpu.memory_space<vmem>> -> memref<112xi32, #tpu.memory_space<vmem>>
    %dma_start3A_314 = arith.constant 0 : i32
    %dma_start3A_315 = arith.constant 0 : i32
    %dma_start3A_316 = arith.constant 0 : i32
    %dma_start3A_317 = tpu.memref_slice %arg2[%dma_start3A_305, %dma_start3A_314, %dma_start3A_315, %dma_start3A_316] : memref<2x10000x2x128xf32, #tpu.memory_space<hbm>> -> memref<1x10000x2x128xf32, #tpu.memory_space<hbm>>
    %dma_start3A_318 = tpu.memref_squeeze %dma_start3A_317 : memref<1x10000x2x128xf32, #tpu.memory_space<hbm>> -> memref<10000x2x128xf32, #tpu.memory_space<hbm>>
    %dma_start3A_319 = arith.constant 0 : i32
    %dma_start3A_320 = arith.constant 0 : i32
    %dma_start3A_321 = arith.constant 0 : i32
    %dma_start3A_322 = tpu.memref_slice %dma_start3A_318[%dma_start3A_319, %dma_start3A_320, %dma_start3A_321] : memref<10000x2x128xf32, #tpu.memory_space<hbm>> -> memref<10000x2x128xf32, #tpu.memory_space<hbm>>
    tpu.enqueue_indirect_dma source(%dma_start3A_322 : memref<10000x2x128xf32, #tpu.memory_space<hbm>>) target(%dma_start3A_310 : memref<112x2x128xf32, #tpu.memory_space<vmem>>) offsets(%dma_start3A_313 : memref<112xi32, #tpu.memory_space<vmem>>) semaphore(%arg11 : memref<!tpu.dma_semaphore, #tpu.memory_space<semaphore_mem>>)
    %dma_start3A_323 = arith.constant 1 : i32
    %dma_start3A_324 = arith.constant 0 : i32
    %dma_start3A_325 = arith.constant 112 : i32
    %dma_start3A_326 = arith.constant 0 : i32
    %dma_start3A_327 = arith.constant 0 : i32
    %dma_start3A_328 = tpu.memref_slice %arg8[%dma_start3A_325, %dma_start3A_326, %dma_start3A_327] : memref<224x2x128xf32, #tpu.memory_space<vmem>> -> memref<112x2x128xf32, #tpu.memory_space<vmem>>
    %dma_start3A_329 = arith.constant 0 : i32
    %dma_start3A_330 = tpu.memref_slice %arg6[%dma_start3A_324, %dma_start3A_329] : memref<7x112xi32, #tpu.memory_space<vmem>> -> memref<1x112xi32, #tpu.memory_space<vmem>>
    %dma_start3A_331 = tpu.memref_squeeze %dma_start3A_330 : memref<1x112xi32, #tpu.memory_space<vmem>> -> memref<112xi32, #tpu.memory_space<vmem>>
    %dma_start3A_332 = arith.constant 0 : i32
    %dma_start3A_333 = arith.constant 0 : i32
    %dma_start3A_334 = arith.constant 0 : i32
    %dma_start3A_335 = tpu.memref_slice %arg2[%dma_start3A_323, %dma_start3A_332, %dma_start3A_333, %dma_start3A_334] : memref<2x10000x2x128xf32, #tpu.memory_space<hbm>> -> memref<1x10000x2x128xf32, #tpu.memory_space<hbm>>
    %dma_start3A_336 = tpu.memref_squeeze %dma_start3A_335 : memref<1x10000x2x128xf32, #tpu.memory_space<hbm>> -> memref<10000x2x128xf32, #tpu.memory_space<hbm>>
    %dma_start3A_337 = arith.constant 0 : i32
    %dma_start3A_338 = arith.constant 0 : i32
    %dma_start3A_339 = arith.constant 0 : i32
    %dma_start3A_340 = tpu.memref_slice %dma_start3A_336[%dma_start3A_337, %dma_start3A_338, %dma_start3A_339] : memref<10000x2x128xf32, #tpu.memory_space<hbm>> -> memref<10000x2x128xf32, #tpu.memory_space<hbm>>
    tpu.enqueue_indirect_dma source(%dma_start3A_340 : memref<10000x2x128xf32, #tpu.memory_space<hbm>>) target(%dma_start3A_328 : memref<112x2x128xf32, #tpu.memory_space<vmem>>) offsets(%dma_start3A_331 : memref<112xi32, #tpu.memory_space<vmem>>) semaphore(%arg11 : memref<!tpu.dma_semaphore, #tpu.memory_space<semaphore_mem>>)
    %dma_wait3A_341 = arith.constant 1 : i32
    %dma_wait3A_342 = arith.constant 0 : i32
    %dma_wait3A_343 = tpu.memref_slice %arg5[%dma_wait3A_341, %dma_wait3A_342] : memref<7x112xi32, #tpu.memory_space<vmem>> -> memref<1x112xi32, #tpu.memory_space<vmem>>
    %dma_wait3A_344 = tpu.memref_squeeze %dma_wait3A_343 : memref<1x112xi32, #tpu.memory_space<vmem>> -> memref<112xi32, #tpu.memory_space<vmem>>
    %dma_wait3A_345 = tpu.memref_slice %arg3[%add3A_44] : memref<50000xi32, #tpu.memory_space<hbm>> -> memref<112xi32, #tpu.memory_space<hbm>>
    %dma_wait3A_346 = arith.constant 0 : i32
    %dma_wait3A_347 = tpu.memref_slice %arg5[%dma_wait3A_341, %dma_wait3A_346] : memref<7x112xi32, #tpu.memory_space<vmem>> -> memref<1x112xi32, #tpu.memory_space<vmem>>
    %dma_wait3A_348 = tpu.memref_squeeze %dma_wait3A_347 : memref<1x112xi32, #tpu.memory_space<vmem>> -> memref<112xi32, #tpu.memory_space<vmem>>
    %dma_wait3A_349 = tpu.memref_slice %arg3[%add3A_44] : memref<50000xi32, #tpu.memory_space<hbm>> -> memref<112xi32, #tpu.memory_space<hbm>>
    tpu.wait_dma2 semaphore(%arg9 : memref<!tpu.dma_semaphore, #tpu.memory_space<semaphore_mem>>) src(%dma_wait3A_349 : memref<112xi32, #tpu.memory_space<hbm>>) dst(%dma_wait3A_348 : memref<112xi32, #tpu.memory_space<vmem>>)
    %dma_wait3A_350 = arith.constant 1 : i32
    %dma_wait3A_351 = arith.constant 0 : i32
    %dma_wait3A_352 = tpu.memref_slice %arg6[%dma_wait3A_350, %dma_wait3A_351] : memref<7x112xi32, #tpu.memory_space<vmem>> -> memref<1x112xi32, #tpu.memory_space<vmem>>
    %dma_wait3A_353 = tpu.memref_squeeze %dma_wait3A_352 : memref<1x112xi32, #tpu.memory_space<vmem>> -> memref<112xi32, #tpu.memory_space<vmem>>
    %dma_wait3A_354 = tpu.memref_slice %arg3[%add3A_62] : memref<50000xi32, #tpu.memory_space<hbm>> -> memref<112xi32, #tpu.memory_space<hbm>>
    %dma_wait3A_355 = arith.constant 0 : i32
    %dma_wait3A_356 = tpu.memref_slice %arg6[%dma_wait3A_350, %dma_wait3A_355] : memref<7x112xi32, #tpu.memory_space<vmem>> -> memref<1x112xi32, #tpu.memory_space<vmem>>
    %dma_wait3A_357 = tpu.memref_squeeze %dma_wait3A_356 : memref<1x112xi32, #tpu.memory_space<vmem>> -> memref<112xi32, #tpu.memory_space<vmem>>
    %dma_wait3A_358 = tpu.memref_slice %arg3[%add3A_62] : memref<50000xi32, #tpu.memory_space<hbm>> -> memref<112xi32, #tpu.memory_space<hbm>>
    tpu.wait_dma2 semaphore(%arg9 : memref<!tpu.dma_semaphore, #tpu.memory_space<semaphore_mem>>) src(%dma_wait3A_358 : memref<112xi32, #tpu.memory_space<hbm>>) dst(%dma_wait3A_357 : memref<112xi32, #tpu.memory_space<vmem>>)
    %dma_wait3A_359 = arith.constant 2 : i32
    %dma_wait3A_360 = arith.constant 0 : i32
    %dma_wait3A_361 = tpu.memref_slice %arg5[%dma_wait3A_359, %dma_wait3A_360] : memref<7x112xi32, #tpu.memory_space<vmem>> -> memref<1x112xi32, #tpu.memory_space<vmem>>
    %dma_wait3A_362 = tpu.memref_squeeze %dma_wait3A_361 : memref<1x112xi32, #tpu.memory_space<vmem>> -> memref<112xi32, #tpu.memory_space<vmem>>
    %dma_wait3A_363 = tpu.memref_slice %arg3[%add3A_80] : memref<50000xi32, #tpu.memory_space<hbm>> -> memref<112xi32, #tpu.memory_space<hbm>>
    %dma_wait3A_364 = arith.constant 0 : i32
    %dma_wait3A_365 = tpu.memref_slice %arg5[%dma_wait3A_359, %dma_wait3A_364] : memref<7x112xi32, #tpu.memory_space<vmem>> -> memref<1x112xi32, #tpu.memory_space<vmem>>
    %dma_wait3A_366 = tpu.memref_squeeze %dma_wait3A_365 : memref<1x112xi32, #tpu.memory_space<vmem>> -> memref<112xi32, #tpu.memory_space<vmem>>
    %dma_wait3A_367 = tpu.memref_slice %arg3[%add3A_80] : memref<50000xi32, #tpu.memory_space<hbm>> -> memref<112xi32, #tpu.memory_space<hbm>>
    tpu.wait_dma2 semaphore(%arg9 : memref<!tpu.dma_semaphore, #tpu.memory_space<semaphore_mem>>) src(%dma_wait3A_367 : memref<112xi32, #tpu.memory_space<hbm>>) dst(%dma_wait3A_366 : memref<112xi32, #tpu.memory_space<vmem>>)
    %dma_wait3A_368 = arith.constant 2 : i32
    %dma_wait3A_369 = arith.constant 0 : i32
    %dma_wait3A_370 = tpu.memref_slice %arg6[%dma_wait3A_368, %dma_wait3A_369] : memref<7x112xi32, #tpu.memory_space<vmem>> -> memref<1x112xi32, #tpu.memory_space<vmem>>
    %dma_wait3A_371 = tpu.memref_squeeze %dma_wait3A_370 : memref<1x112xi32, #tpu.memory_space<vmem>> -> memref<112xi32, #tpu.memory_space<vmem>>
    %dma_wait3A_372 = tpu.memref_slice %arg3[%add3A_98] : memref<50000xi32, #tpu.memory_space<hbm>> -> memref<112xi32, #tpu.memory_space<hbm>>
    %dma_wait3A_373 = arith.constant 0 : i32
    %dma_wait3A_374 = tpu.memref_slice %arg6[%dma_wait3A_368, %dma_wait3A_373] : memref<7x112xi32, #tpu.memory_space<vmem>> -> memref<1x112xi32, #tpu.memory_space<vmem>>
    %dma_wait3A_375 = tpu.memref_squeeze %dma_wait3A_374 : memref<1x112xi32, #tpu.memory_space<vmem>> -> memref<112xi32, #tpu.memory_space<vmem>>
    %dma_wait3A_376 = tpu.memref_slice %arg3[%add3A_98] : memref<50000xi32, #tpu.memory_space<hbm>> -> memref<112xi32, #tpu.memory_space<hbm>>
    tpu.wait_dma2 semaphore(%arg9 : memref<!tpu.dma_semaphore, #tpu.memory_space<semaphore_mem>>) src(%dma_wait3A_376 : memref<112xi32, #tpu.memory_space<hbm>>) dst(%dma_wait3A_375 : memref<112xi32, #tpu.memory_space<vmem>>)
    %dma_wait3A_377 = arith.constant 3 : i32
    %dma_wait3A_378 = arith.constant 0 : i32
    %dma_wait3A_379 = tpu.memref_slice %arg5[%dma_wait3A_377, %dma_wait3A_378] : memref<7x112xi32, #tpu.memory_space<vmem>> -> memref<1x112xi32, #tpu.memory_space<vmem>>
    %dma_wait3A_380 = tpu.memref_squeeze %dma_wait3A_379 : memref<1x112xi32, #tpu.memory_space<vmem>> -> memref<112xi32, #tpu.memory_space<vmem>>
    %dma_wait3A_381 = tpu.memref_slice %arg3[%add3A_116] : memref<50000xi32, #tpu.memory_space<hbm>> -> memref<112xi32, #tpu.memory_space<hbm>>
    %dma_wait3A_382 = arith.constant 0 : i32
    %dma_wait3A_383 = tpu.memref_slice %arg5[%dma_wait3A_377, %dma_wait3A_382] : memref<7x112xi32, #tpu.memory_space<vmem>> -> memref<1x112xi32, #tpu.memory_space<vmem>>
    %dma_wait3A_384 = tpu.memref_squeeze %dma_wait3A_383 : memref<1x112xi32, #tpu.memory_space<vmem>> -> memref<112xi32, #tpu.memory_space<vmem>>
    %dma_wait3A_385 = tpu.memref_slice %arg3[%add3A_116] : memref<50000xi32, #tpu.memory_space<hbm>> -> memref<112xi32, #tpu.memory_space<hbm>>
    tpu.wait_dma2 semaphore(%arg9 : memref<!tpu.dma_semaphore, #tpu.memory_space<semaphore_mem>>) src(%dma_wait3A_385 : memref<112xi32, #tpu.memory_space<hbm>>) dst(%dma_wait3A_384 : memref<112xi32, #tpu.memory_space<vmem>>)
    %dma_wait3A_386 = arith.constant 3 : i32
    %dma_wait3A_387 = arith.constant 0 : i32
    %dma_wait3A_388 = tpu.memref_slice %arg6[%dma_wait3A_386, %dma_wait3A_387] : memref<7x112xi32, #tpu.memory_space<vmem>> -> memref<1x112xi32, #tpu.memory_space<vmem>>
    %dma_wait3A_389 = tpu.memref_squeeze %dma_wait3A_388 : memref<1x112xi32, #tpu.memory_space<vmem>> -> memref<112xi32, #tpu.memory_space<vmem>>
    %dma_wait3A_390 = tpu.memref_slice %arg3[%add3A_134] : memref<50000xi32, #tpu.memory_space<hbm>> -> memref<112xi32, #tpu.memory_space<hbm>>
    %dma_wait3A_391 = arith.constant 0 : i32
    %dma_wait3A_392 = tpu.memref_slice %arg6[%dma_wait3A_386, %dma_wait3A_391] : memref<7x112xi32, #tpu.memory_space<vmem>> -> memref<1x112xi32, #tpu.memory_space<vmem>>
    %dma_wait3A_393 = tpu.memref_squeeze %dma_wait3A_392 : memref<1x112xi32, #tpu.memory_space<vmem>> -> memref<112xi32, #tpu.memory_space<vmem>>
    %dma_wait3A_394 = tpu.memref_slice %arg3[%add3A_134] : memref<50000xi32, #tpu.memory_space<hbm>> -> memref<112xi32, #tpu.memory_space<hbm>>
    tpu.wait_dma2 semaphore(%arg9 : memref<!tpu.dma_semaphore, #tpu.memory_space<semaphore_mem>>) src(%dma_wait3A_394 : memref<112xi32, #tpu.memory_space<hbm>>) dst(%dma_wait3A_393 : memref<112xi32, #tpu.memory_space<vmem>>)
    %dma_wait3A_395 = arith.constant 4 : i32
    %dma_wait3A_396 = arith.constant 0 : i32
    %dma_wait3A_397 = tpu.memref_slice %arg5[%dma_wait3A_395, %dma_wait3A_396] : memref<7x112xi32, #tpu.memory_space<vmem>> -> memref<1x112xi32, #tpu.memory_space<vmem>>
    %dma_wait3A_398 = tpu.memref_squeeze %dma_wait3A_397 : memref<1x112xi32, #tpu.memory_space<vmem>> -> memref<112xi32, #tpu.memory_space<vmem>>
    %dma_wait3A_399 = tpu.memref_slice %arg3[%add3A_152] : memref<50000xi32, #tpu.memory_space<hbm>> -> memref<112xi32, #tpu.memory_space<hbm>>
    %dma_wait3A_400 = arith.constant 0 : i32
    %dma_wait3A_401 = tpu.memref_slice %arg5[%dma_wait3A_395, %dma_wait3A_400] : memref<7x112xi32, #tpu.memory_space<vmem>> -> memref<1x112xi32, #tpu.memory_space<vmem>>
    %dma_wait3A_402 = tpu.memref_squeeze %dma_wait3A_401 : memref<1x112xi32, #tpu.memory_space<vmem>> -> memref<112xi32, #tpu.memory_space<vmem>>
    %dma_wait3A_403 = tpu.memref_slice %arg3[%add3A_152] : memref<50000xi32, #tpu.memory_space<hbm>> -> memref<112xi32, #tpu.memory_space<hbm>>
    tpu.wait_dma2 semaphore(%arg9 : memref<!tpu.dma_semaphore, #tpu.memory_space<semaphore_mem>>) src(%dma_wait3A_403 : memref<112xi32, #tpu.memory_space<hbm>>) dst(%dma_wait3A_402 : memref<112xi32, #tpu.memory_space<vmem>>)
    %dma_wait3A_404 = arith.constant 4 : i32
    %dma_wait3A_405 = arith.constant 0 : i32
    %dma_wait3A_406 = tpu.memref_slice %arg6[%dma_wait3A_404, %dma_wait3A_405] : memref<7x112xi32, #tpu.memory_space<vmem>> -> memref<1x112xi32, #tpu.memory_space<vmem>>
    %dma_wait3A_407 = tpu.memref_squeeze %dma_wait3A_406 : memref<1x112xi32, #tpu.memory_space<vmem>> -> memref<112xi32, #tpu.memory_space<vmem>>
    %dma_wait3A_408 = tpu.memref_slice %arg3[%add3A_170] : memref<50000xi32, #tpu.memory_space<hbm>> -> memref<112xi32, #tpu.memory_space<hbm>>
    %dma_wait3A_409 = arith.constant 0 : i32
    %dma_wait3A_410 = tpu.memref_slice %arg6[%dma_wait3A_404, %dma_wait3A_409] : memref<7x112xi32, #tpu.memory_space<vmem>> -> memref<1x112xi32, #tpu.memory_space<vmem>>
    %dma_wait3A_411 = tpu.memref_squeeze %dma_wait3A_410 : memref<1x112xi32, #tpu.memory_space<vmem>> -> memref<112xi32, #tpu.memory_space<vmem>>
    %dma_wait3A_412 = tpu.memref_slice %arg3[%add3A_170] : memref<50000xi32, #tpu.memory_space<hbm>> -> memref<112xi32, #tpu.memory_space<hbm>>
    tpu.wait_dma2 semaphore(%arg9 : memref<!tpu.dma_semaphore, #tpu.memory_space<semaphore_mem>>) src(%dma_wait3A_412 : memref<112xi32, #tpu.memory_space<hbm>>) dst(%dma_wait3A_411 : memref<112xi32, #tpu.memory_space<vmem>>)
    %dma_wait3A_413 = arith.constant 5 : i32
    %dma_wait3A_414 = arith.constant 0 : i32
    %dma_wait3A_415 = tpu.memref_slice %arg5[%dma_wait3A_413, %dma_wait3A_414] : memref<7x112xi32, #tpu.memory_space<vmem>> -> memref<1x112xi32, #tpu.memory_space<vmem>>
    %dma_wait3A_416 = tpu.memref_squeeze %dma_wait3A_415 : memref<1x112xi32, #tpu.memory_space<vmem>> -> memref<112xi32, #tpu.memory_space<vmem>>
    %dma_wait3A_417 = tpu.memref_slice %arg3[%add3A_188] : memref<50000xi32, #tpu.memory_space<hbm>> -> memref<112xi32, #tpu.memory_space<hbm>>
    %dma_wait3A_418 = arith.constant 0 : i32
    %dma_wait3A_419 = tpu.memref_slice %arg5[%dma_wait3A_413, %dma_wait3A_418] : memref<7x112xi32, #tpu.memory_space<vmem>> -> memref<1x112xi32, #tpu.memory_space<vmem>>
    %dma_wait3A_420 = tpu.memref_squeeze %dma_wait3A_419 : memref<1x112xi32, #tpu.memory_space<vmem>> -> memref<112xi32, #tpu.memory_space<vmem>>
    %dma_wait3A_421 = tpu.memref_slice %arg3[%add3A_188] : memref<50000xi32, #tpu.memory_space<hbm>> -> memref<112xi32, #tpu.memory_space<hbm>>
    tpu.wait_dma2 semaphore(%arg9 : memref<!tpu.dma_semaphore, #tpu.memory_space<semaphore_mem>>) src(%dma_wait3A_421 : memref<112xi32, #tpu.memory_space<hbm>>) dst(%dma_wait3A_420 : memref<112xi32, #tpu.memory_space<vmem>>)
    %dma_wait3A_422 = arith.constant 5 : i32
    %dma_wait3A_423 = arith.constant 0 : i32
    %dma_wait3A_424 = tpu.memref_slice %arg6[%dma_wait3A_422, %dma_wait3A_423] : memref<7x112xi32, #tpu.memory_space<vmem>> -> memref<1x112xi32, #tpu.memory_space<vmem>>
    %dma_wait3A_425 = tpu.memref_squeeze %dma_wait3A_424 : memref<1x112xi32, #tpu.memory_space<vmem>> -> memref<112xi32, #tpu.memory_space<vmem>>
    %dma_wait3A_426 = tpu.memref_slice %arg3[%add3A_206] : memref<50000xi32, #tpu.memory_space<hbm>> -> memref<112xi32, #tpu.memory_space<hbm>>
    %dma_wait3A_427 = arith.constant 0 : i32
    %dma_wait3A_428 = tpu.memref_slice %arg6[%dma_wait3A_422, %dma_wait3A_427] : memref<7x112xi32, #tpu.memory_space<vmem>> -> memref<1x112xi32, #tpu.memory_space<vmem>>
    %dma_wait3A_429 = tpu.memref_squeeze %dma_wait3A_428 : memref<1x112xi32, #tpu.memory_space<vmem>> -> memref<112xi32, #tpu.memory_space<vmem>>
    %dma_wait3A_430 = tpu.memref_slice %arg3[%add3A_206] : memref<50000xi32, #tpu.memory_space<hbm>> -> memref<112xi32, #tpu.memory_space<hbm>>
    tpu.wait_dma2 semaphore(%arg9 : memref<!tpu.dma_semaphore, #tpu.memory_space<semaphore_mem>>) src(%dma_wait3A_430 : memref<112xi32, #tpu.memory_space<hbm>>) dst(%dma_wait3A_429 : memref<112xi32, #tpu.memory_space<vmem>>)
    %dma_wait3A_431 = arith.constant 6 : i32
    %dma_wait3A_432 = arith.constant 0 : i32
    %dma_wait3A_433 = tpu.memref_slice %arg5[%dma_wait3A_431, %dma_wait3A_432] : memref<7x112xi32, #tpu.memory_space<vmem>> -> memref<1x112xi32, #tpu.memory_space<vmem>>
    %dma_wait3A_434 = tpu.memref_squeeze %dma_wait3A_433 : memref<1x112xi32, #tpu.memory_space<vmem>> -> memref<112xi32, #tpu.memory_space<vmem>>
    %dma_wait3A_435 = tpu.memref_slice %arg3[%add3A_224] : memref<50000xi32, #tpu.memory_space<hbm>> -> memref<112xi32, #tpu.memory_space<hbm>>
    %dma_wait3A_436 = arith.constant 0 : i32
    %dma_wait3A_437 = tpu.memref_slice %arg5[%dma_wait3A_431, %dma_wait3A_436] : memref<7x112xi32, #tpu.memory_space<vmem>> -> memref<1x112xi32, #tpu.memory_space<vmem>>
    %dma_wait3A_438 = tpu.memref_squeeze %dma_wait3A_437 : memref<1x112xi32, #tpu.memory_space<vmem>> -> memref<112xi32, #tpu.memory_space<vmem>>
    %dma_wait3A_439 = tpu.memref_slice %arg3[%add3A_224] : memref<50000xi32, #tpu.memory_space<hbm>> -> memref<112xi32, #tpu.memory_space<hbm>>
    tpu.wait_dma2 semaphore(%arg9 : memref<!tpu.dma_semaphore, #tpu.memory_space<semaphore_mem>>) src(%dma_wait3A_439 : memref<112xi32, #tpu.memory_space<hbm>>) dst(%dma_wait3A_438 : memref<112xi32, #tpu.memory_space<vmem>>)
    %dma_wait3A_440 = arith.constant 6 : i32
    %dma_wait3A_441 = arith.constant 0 : i32
    %dma_wait3A_442 = tpu.memref_slice %arg6[%dma_wait3A_440, %dma_wait3A_441] : memref<7x112xi32, #tpu.memory_space<vmem>> -> memref<1x112xi32, #tpu.memory_space<vmem>>
    %dma_wait3A_443 = tpu.memref_squeeze %dma_wait3A_442 : memref<1x112xi32, #tpu.memory_space<vmem>> -> memref<112xi32, #tpu.memory_space<vmem>>
    %dma_wait3A_444 = tpu.memref_slice %arg3[%add3A_242] : memref<50000xi32, #tpu.memory_space<hbm>> -> memref<112xi32, #tpu.memory_space<hbm>>
    %dma_wait3A_445 = arith.constant 0 : i32
    %dma_wait3A_446 = tpu.memref_slice %arg6[%dma_wait3A_440, %dma_wait3A_445] : memref<7x112xi32, #tpu.memory_space<vmem>> -> memref<1x112xi32, #tpu.memory_space<vmem>>
    %dma_wait3A_447 = tpu.memref_squeeze %dma_wait3A_446 : memref<1x112xi32, #tpu.memory_space<vmem>> -> memref<112xi32, #tpu.memory_space<vmem>>
    %dma_wait3A_448 = tpu.memref_slice %arg3[%add3A_242] : memref<50000xi32, #tpu.memory_space<hbm>> -> memref<112xi32, #tpu.memory_space<hbm>>
    tpu.wait_dma2 semaphore(%arg9 : memref<!tpu.dma_semaphore, #tpu.memory_space<semaphore_mem>>) src(%dma_wait3A_448 : memref<112xi32, #tpu.memory_space<hbm>>) dst(%dma_wait3A_447 : memref<112xi32, #tpu.memory_space<vmem>>)
    %dma_wait3A_449 = arith.constant 0 : i32
    %dma_wait3A_450 = arith.constant 0 : i32
    %dma_wait3A_451 = arith.constant 0 : i32
    %dma_wait3A_452 = arith.constant 0 : i32
    %dma_wait3A_453 = arith.constant 0 : i32
    %dma_wait3A_454 = tpu.memref_slice %arg7[%dma_wait3A_451, %dma_wait3A_452, %dma_wait3A_453] : memref<224x2x128xf32, #tpu.memory_space<vmem>> -> memref<112x2x128xf32, #tpu.memory_space<vmem>>
    %dma_wait3A_455 = arith.constant 0 : i32
    %dma_wait3A_456 = tpu.memref_slice %arg5[%dma_wait3A_450, %dma_wait3A_455] : memref<7x112xi32, #tpu.memory_space<vmem>> -> memref<1x112xi32, #tpu.memory_space<vmem>>
    %dma_wait3A_457 = tpu.memref_squeeze %dma_wait3A_456 : memref<1x112xi32, #tpu.memory_space<vmem>> -> memref<112xi32, #tpu.memory_space<vmem>>
    %dma_wait3A_458 = arith.constant 0 : i32
    %dma_wait3A_459 = arith.constant 0 : i32
    %dma_wait3A_460 = arith.constant 0 : i32
    %dma_wait3A_461 = tpu.memref_slice %arg2[%dma_wait3A_449, %dma_wait3A_458, %dma_wait3A_459, %dma_wait3A_460] : memref<2x10000x2x128xf32, #tpu.memory_space<hbm>> -> memref<1x10000x2x128xf32, #tpu.memory_space<hbm>>
    %dma_wait3A_462 = tpu.memref_squeeze %dma_wait3A_461 : memref<1x10000x2x128xf32, #tpu.memory_space<hbm>> -> memref<10000x2x128xf32, #tpu.memory_space<hbm>>
    %dma_wait3A_463 = arith.constant 0 : i32
    %dma_wait3A_464 = arith.constant 0 : i32
    %dma_wait3A_465 = arith.constant 0 : i32
    %dma_wait3A_466 = tpu.memref_slice %dma_wait3A_462[%dma_wait3A_463, %dma_wait3A_464, %dma_wait3A_465] : memref<10000x2x128xf32, #tpu.memory_space<hbm>> -> memref<10000x2x128xf32, #tpu.memory_space<hbm>>
    tpu.wait_indirect_dma semaphore(%arg10 : memref<!tpu.dma_semaphore, #tpu.memory_space<semaphore_mem>>) src(%dma_wait3A_466 : memref<10000x2x128xf32, #tpu.memory_space<hbm>>) dst(%dma_wait3A_454 : memref<112x2x128xf32, #tpu.memory_space<vmem>>)
    %dma_wait3A_467 = arith.constant 0 : i32
    %dma_wait3A_468 = arith.constant 0 : i32
    %dma_wait3A_469 = arith.constant 112 : i32
    %dma_wait3A_470 = arith.constant 0 : i32
    %dma_wait3A_471 = arith.constant 0 : i32
    %dma_wait3A_472 = tpu.memref_slice %arg7[%dma_wait3A_469, %dma_wait3A_470, %dma_wait3A_471] : memref<224x2x128xf32, #tpu.memory_space<vmem>> -> memref<112x2x128xf32, #tpu.memory_space<vmem>>
    %dma_wait3A_473 = arith.constant 0 : i32
    %dma_wait3A_474 = tpu.memref_slice %arg6[%dma_wait3A_468, %dma_wait3A_473] : memref<7x112xi32, #tpu.memory_space<vmem>> -> memref<1x112xi32, #tpu.memory_space<vmem>>
    %dma_wait3A_475 = tpu.memref_squeeze %dma_wait3A_474 : memref<1x112xi32, #tpu.memory_space<vmem>> -> memref<112xi32, #tpu.memory_space<vmem>>
    %dma_wait3A_476 = arith.constant 0 : i32
    %dma_wait3A_477 = arith.constant 0 : i32
    %dma_wait3A_478 = arith.constant 0 : i32
    %dma_wait3A_479 = tpu.memref_slice %arg2[%dma_wait3A_467, %dma_wait3A_476, %dma_wait3A_477, %dma_wait3A_478] : memref<2x10000x2x128xf32, #tpu.memory_space<hbm>> -> memref<1x10000x2x128xf32, #tpu.memory_space<hbm>>
    %dma_wait3A_480 = tpu.memref_squeeze %dma_wait3A_479 : memref<1x10000x2x128xf32, #tpu.memory_space<hbm>> -> memref<10000x2x128xf32, #tpu.memory_space<hbm>>
    %dma_wait3A_481 = arith.constant 0 : i32
    %dma_wait3A_482 = arith.constant 0 : i32
    %dma_wait3A_483 = arith.constant 0 : i32
    %dma_wait3A_484 = tpu.memref_slice %dma_wait3A_480[%dma_wait3A_481, %dma_wait3A_482, %dma_wait3A_483] : memref<10000x2x128xf32, #tpu.memory_space<hbm>> -> memref<10000x2x128xf32, #tpu.memory_space<hbm>>
    tpu.wait_indirect_dma semaphore(%arg10 : memref<!tpu.dma_semaphore, #tpu.memory_space<semaphore_mem>>) src(%dma_wait3A_484 : memref<10000x2x128xf32, #tpu.memory_space<hbm>>) dst(%dma_wait3A_472 : memref<112x2x128xf32, #tpu.memory_space<vmem>>)
    %add3A_485 = arith.constant 0 : i32
    %add3A_486 = arith.addi %mul3A_2, %add3A_485 : i32
    %mul3A_487 = arith.constant 224 : i32
    %mul3A_488 = arith.muli %add3A_486, %mul3A_487 : i32
    %min3A_489 = arith.constant 49776 : i32
    %min3A_490 = arith.minsi %mul3A_488, %min3A_489 : i32
    %multiple_of3A_491 = tpu.assume_multiple %min3A_490, 8 : i32
    %dma_start3A_492 = arith.constant 0 : i32
    %dma_start3A_493 = arith.constant 0 : i32
    %dma_start3A_494 = arith.constant 0 : i32
    %dma_start3A_495 = tpu.memref_slice %arg4[%dma_start3A_492, %multiple_of3A_491, %dma_start3A_493, %dma_start3A_494] : memref<2x50000x2x128xf32, #tpu.memory_space<hbm>> -> memref<1x224x2x128xf32, #tpu.memory_space<hbm>>
    %dma_start3A_496 = tpu.memref_squeeze %dma_start3A_495 : memref<1x224x2x128xf32, #tpu.memory_space<hbm>> -> memref<224x2x128xf32, #tpu.memory_space<hbm>>
    %dma_start3A_497 = arith.constant 0 : i32
    %dma_start3A_498 = arith.constant 0 : i32
    %dma_start3A_499 = tpu.memref_slice %arg4[%dma_start3A_492, %multiple_of3A_491, %dma_start3A_497, %dma_start3A_498] : memref<2x50000x2x128xf32, #tpu.memory_space<hbm>> -> memref<1x224x2x128xf32, #tpu.memory_space<hbm>>
    %dma_start3A_500 = tpu.memref_squeeze %dma_start3A_499 : memref<1x224x2x128xf32, #tpu.memory_space<hbm>> -> memref<224x2x128xf32, #tpu.memory_space<hbm>>
    tpu.enqueue_dma source(%arg7 : memref<224x2x128xf32, #tpu.memory_space<vmem>>) target(%dma_start3A_500 : memref<224x2x128xf32, #tpu.memory_space<hbm>>) target_semaphore(%arg12 : memref<!tpu.dma_semaphore, #tpu.memory_space<semaphore_mem>>)
    %scan3A = arith.constant 0 : i32
    %scan3A_501 = arith.constant 1 : i32
    %scan3A_502 = arith.constant 6 : i32
    %scan3A_503 = arith.addi %scan3A_501, %scan3A_502 : i32
    %scan3A_504 = arith.constant 1 : i32
    scf.for %scan3A_582 = %scan3A_501 to %scan3A_503 step %scan3A_504  : i32 {
      %dma_wait3A_583 = arith.constant 0 : i32
      %dma_wait3A_584 = arith.constant 0 : i32
      %dma_wait3A_585 = arith.constant 0 : i32
      %dma_wait3A_586 = arith.constant 0 : i32
      %dma_wait3A_587 = tpu.memref_slice %arg2[%dma_wait3A_583, %dma_wait3A_584, %dma_wait3A_585, %dma_wait3A_586] : memref<2x10000x2x128xf32, #tpu.memory_space<hbm>> -> memref<1x224x2x128xf32, #tpu.memory_space<hbm>>
      %dma_wait3A_588 = tpu.memref_squeeze %dma_wait3A_587 : memref<1x224x2x128xf32, #tpu.memory_space<hbm>> -> memref<224x2x128xf32, #tpu.memory_space<hbm>>
      %dma_wait3A_589 = arith.constant 0 : i32
      %dma_wait3A_590 = arith.constant 0 : i32
      %dma_wait3A_591 = arith.constant 0 : i32
      %dma_wait3A_592 = tpu.memref_slice %arg2[%dma_wait3A_583, %dma_wait3A_589, %dma_wait3A_590, %dma_wait3A_591] : memref<2x10000x2x128xf32, #tpu.memory_space<hbm>> -> memref<1x224x2x128xf32, #tpu.memory_space<hbm>>
      %dma_wait3A_593 = tpu.memref_squeeze %dma_wait3A_592 : memref<1x224x2x128xf32, #tpu.memory_space<hbm>> -> memref<224x2x128xf32, #tpu.memory_space<hbm>>
      tpu.wait_dma2 semaphore(%arg12 : memref<!tpu.dma_semaphore, #tpu.memory_space<semaphore_mem>>) src(%dma_wait3A_593 : memref<224x2x128xf32, #tpu.memory_space<hbm>>) dst(%arg7 : memref<224x2x128xf32, #tpu.memory_space<vmem>>)
      %dma_start3A_594 = arith.constant 0 : i32
      %dma_start3A_595 = arith.constant 0 : i32
      %dma_start3A_596 = arith.constant 0 : i32
      %dma_start3A_597 = arith.constant 0 : i32
      %dma_start3A_598 = tpu.memref_slice %arg7[%dma_start3A_595, %dma_start3A_596, %dma_start3A_597] : memref<224x2x128xf32, #tpu.memory_space<vmem>> -> memref<112x2x128xf32, #tpu.memory_space<vmem>>
      %dma_start3A_599 = arith.constant 0 : i32
      %dma_start3A_600 = tpu.memref_slice %arg5[%scan3A_582, %dma_start3A_599] : memref<7x112xi32, #tpu.memory_space<vmem>> -> memref<1x112xi32, #tpu.memory_space<vmem>>
      %dma_start3A_601 = tpu.memref_squeeze %dma_start3A_600 : memref<1x112xi32, #tpu.memory_space<vmem>> -> memref<112xi32, #tpu.memory_space<vmem>>
      %dma_start3A_602 = arith.constant 0 : i32
      %dma_start3A_603 = arith.constant 0 : i32
      %dma_start3A_604 = arith.constant 0 : i32
      %dma_start3A_605 = tpu.memref_slice %arg2[%dma_start3A_594, %dma_start3A_602, %dma_start3A_603, %dma_start3A_604] : memref<2x10000x2x128xf32, #tpu.memory_space<hbm>> -> memref<1x10000x2x128xf32, #tpu.memory_space<hbm>>
      %dma_start3A_606 = tpu.memref_squeeze %dma_start3A_605 : memref<1x10000x2x128xf32, #tpu.memory_space<hbm>> -> memref<10000x2x128xf32, #tpu.memory_space<hbm>>
      %dma_start3A_607 = arith.constant 0 : i32
      %dma_start3A_608 = arith.constant 0 : i32
      %dma_start3A_609 = arith.constant 0 : i32
      %dma_start3A_610 = tpu.memref_slice %dma_start3A_606[%dma_start3A_607, %dma_start3A_608, %dma_start3A_609] : memref<10000x2x128xf32, #tpu.memory_space<hbm>> -> memref<10000x2x128xf32, #tpu.memory_space<hbm>>
      tpu.enqueue_indirect_dma source(%dma_start3A_610 : memref<10000x2x128xf32, #tpu.memory_space<hbm>>) target(%dma_start3A_598 : memref<112x2x128xf32, #tpu.memory_space<vmem>>) offsets(%dma_start3A_601 : memref<112xi32, #tpu.memory_space<vmem>>) semaphore(%arg10 : memref<!tpu.dma_semaphore, #tpu.memory_space<semaphore_mem>>)
      %dma_start3A_611 = arith.constant 0 : i32
      %dma_start3A_612 = arith.constant 112 : i32
      %dma_start3A_613 = arith.constant 0 : i32
      %dma_start3A_614 = arith.constant 0 : i32
      %dma_start3A_615 = tpu.memref_slice %arg7[%dma_start3A_612, %dma_start3A_613, %dma_start3A_614] : memref<224x2x128xf32, #tpu.memory_space<vmem>> -> memref<112x2x128xf32, #tpu.memory_space<vmem>>
      %dma_start3A_616 = arith.constant 0 : i32
      %dma_start3A_617 = tpu.memref_slice %arg6[%scan3A_582, %dma_start3A_616] : memref<7x112xi32, #tpu.memory_space<vmem>> -> memref<1x112xi32, #tpu.memory_space<vmem>>
      %dma_start3A_618 = tpu.memref_squeeze %dma_start3A_617 : memref<1x112xi32, #tpu.memory_space<vmem>> -> memref<112xi32, #tpu.memory_space<vmem>>
      %dma_start3A_619 = arith.constant 0 : i32
      %dma_start3A_620 = arith.constant 0 : i32
      %dma_start3A_621 = arith.constant 0 : i32
      %dma_start3A_622 = tpu.memref_slice %arg2[%dma_start3A_611, %dma_start3A_619, %dma_start3A_620, %dma_start3A_621] : memref<2x10000x2x128xf32, #tpu.memory_space<hbm>> -> memref<1x10000x2x128xf32, #tpu.memory_space<hbm>>
      %dma_start3A_623 = tpu.memref_squeeze %dma_start3A_622 : memref<1x10000x2x128xf32, #tpu.memory_space<hbm>> -> memref<10000x2x128xf32, #tpu.memory_space<hbm>>
      %dma_start3A_624 = arith.constant 0 : i32
      %dma_start3A_625 = arith.constant 0 : i32
      %dma_start3A_626 = arith.constant 0 : i32
      %dma_start3A_627 = tpu.memref_slice %dma_start3A_623[%dma_start3A_624, %dma_start3A_625, %dma_start3A_626] : memref<10000x2x128xf32, #tpu.memory_space<hbm>> -> memref<10000x2x128xf32, #tpu.memory_space<hbm>>
      tpu.enqueue_indirect_dma source(%dma_start3A_627 : memref<10000x2x128xf32, #tpu.memory_space<hbm>>) target(%dma_start3A_615 : memref<112x2x128xf32, #tpu.memory_space<vmem>>) offsets(%dma_start3A_618 : memref<112xi32, #tpu.memory_space<vmem>>) semaphore(%arg10 : memref<!tpu.dma_semaphore, #tpu.memory_space<semaphore_mem>>)
      %dma_wait3A_628 = arith.constant 0 : i32
      %dma_wait3A_629 = arith.constant 0 : i32
      %dma_wait3A_630 = arith.constant 0 : i32
      %dma_wait3A_631 = arith.constant 0 : i32
      %dma_wait3A_632 = tpu.memref_slice %arg8[%dma_wait3A_629, %dma_wait3A_630, %dma_wait3A_631] : memref<224x2x128xf32, #tpu.memory_space<vmem>> -> memref<112x2x128xf32, #tpu.memory_space<vmem>>
      %dma_wait3A_633 = arith.constant 0 : i32
      %dma_wait3A_634 = arith.constant 0 : i32
      %dma_wait3A_635 = arith.constant 0 : i32
      %dma_wait3A_636 = tpu.memref_slice %arg2[%dma_wait3A_628, %dma_wait3A_633, %dma_wait3A_634, %dma_wait3A_635] : memref<2x10000x2x128xf32, #tpu.memory_space<hbm>> -> memref<1x112x2x128xf32, #tpu.memory_space<hbm>>
      %dma_wait3A_637 = tpu.memref_squeeze %dma_wait3A_636 : memref<1x112x2x128xf32, #tpu.memory_space<hbm>> -> memref<112x2x128xf32, #tpu.memory_space<hbm>>
      %dma_wait3A_638 = arith.constant 0 : i32
      %dma_wait3A_639 = arith.constant 0 : i32
      %dma_wait3A_640 = arith.constant 0 : i32
      %dma_wait3A_641 = tpu.memref_slice %arg8[%dma_wait3A_638, %dma_wait3A_639, %dma_wait3A_640] : memref<224x2x128xf32, #tpu.memory_space<vmem>> -> memref<112x2x128xf32, #tpu.memory_space<vmem>>
      %dma_wait3A_642 = arith.constant 0 : i32
      %dma_wait3A_643 = arith.constant 0 : i32
      %dma_wait3A_644 = arith.constant 0 : i32
      %dma_wait3A_645 = tpu.memref_slice %arg2[%dma_wait3A_628, %dma_wait3A_642, %dma_wait3A_643, %dma_wait3A_644] : memref<2x10000x2x128xf32, #tpu.memory_space<hbm>> -> memref<1x112x2x128xf32, #tpu.memory_space<hbm>>
      %dma_wait3A_646 = tpu.memref_squeeze %dma_wait3A_645 : memref<1x112x2x128xf32, #tpu.memory_space<hbm>> -> memref<112x2x128xf32, #tpu.memory_space<hbm>>
      tpu.wait_dma2 semaphore(%arg11 : memref<!tpu.dma_semaphore, #tpu.memory_space<semaphore_mem>>) src(%dma_wait3A_646 : memref<112x2x128xf32, #tpu.memory_space<hbm>>) dst(%dma_wait3A_641 : memref<112x2x128xf32, #tpu.memory_space<vmem>>)
      %dma_wait3A_647 = arith.constant 0 : i32
      %dma_wait3A_648 = arith.constant 0 : i32
      %dma_wait3A_649 = arith.constant 0 : i32
      %dma_wait3A_650 = arith.constant 0 : i32
      %dma_wait3A_651 = tpu.memref_slice %arg8[%dma_wait3A_648, %dma_wait3A_649, %dma_wait3A_650] : memref<224x2x128xf32, #tpu.memory_space<vmem>> -> memref<112x2x128xf32, #tpu.memory_space<vmem>>
      %dma_wait3A_652 = arith.constant 0 : i32
      %dma_wait3A_653 = arith.constant 0 : i32
      %dma_wait3A_654 = arith.constant 0 : i32
      %dma_wait3A_655 = tpu.memref_slice %arg2[%dma_wait3A_647, %dma_wait3A_652, %dma_wait3A_653, %dma_wait3A_654] : memref<2x10000x2x128xf32, #tpu.memory_space<hbm>> -> memref<1x112x2x128xf32, #tpu.memory_space<hbm>>
      %dma_wait3A_656 = tpu.memref_squeeze %dma_wait3A_655 : memref<1x112x2x128xf32, #tpu.memory_space<hbm>> -> memref<112x2x128xf32, #tpu.memory_space<hbm>>
      %dma_wait3A_657 = arith.constant 0 : i32
      %dma_wait3A_658 = arith.constant 0 : i32
      %dma_wait3A_659 = arith.constant 0 : i32
      %dma_wait3A_660 = tpu.memref_slice %arg8[%dma_wait3A_657, %dma_wait3A_658, %dma_wait3A_659] : memref<224x2x128xf32, #tpu.memory_space<vmem>> -> memref<112x2x128xf32, #tpu.memory_space<vmem>>
      %dma_wait3A_661 = arith.constant 0 : i32
      %dma_wait3A_662 = arith.constant 0 : i32
      %dma_wait3A_663 = arith.constant 0 : i32
      %dma_wait3A_664 = tpu.memref_slice %arg2[%dma_wait3A_647, %dma_wait3A_661, %dma_wait3A_662, %dma_wait3A_663] : memref<2x10000x2x128xf32, #tpu.memory_space<hbm>> -> memref<1x112x2x128xf32, #tpu.memory_space<hbm>>
      %dma_wait3A_665 = tpu.memref_squeeze %dma_wait3A_664 : memref<1x112x2x128xf32, #tpu.memory_space<hbm>> -> memref<112x2x128xf32, #tpu.memory_space<hbm>>
      tpu.wait_dma2 semaphore(%arg11 : memref<!tpu.dma_semaphore, #tpu.memory_space<semaphore_mem>>) src(%dma_wait3A_665 : memref<112x2x128xf32, #tpu.memory_space<hbm>>) dst(%dma_wait3A_660 : memref<112x2x128xf32, #tpu.memory_space<vmem>>)
      %sub3A = arith.constant 1 : i32
      %sub3A_666 = arith.subi %scan3A_582, %sub3A : i32
      %add3A_667 = arith.addi %mul3A_2, %sub3A_666 : i32
      %mul3A_668 = arith.constant 224 : i32
      %mul3A_669 = arith.muli %add3A_667, %mul3A_668 : i32
      %min3A_670 = arith.constant 49776 : i32
      %min3A_671 = arith.minsi %mul3A_669, %min3A_670 : i32
      %multiple_of3A_672 = tpu.assume_multiple %min3A_671, 8 : i32
      %dma_start3A_673 = arith.constant 1 : i32
      %dma_start3A_674 = arith.constant 0 : i32
      %dma_start3A_675 = arith.constant 0 : i32
      %dma_start3A_676 = tpu.memref_slice %arg4[%dma_start3A_673, %multiple_of3A_672, %dma_start3A_674, %dma_start3A_675] : memref<2x50000x2x128xf32, #tpu.memory_space<hbm>> -> memref<1x224x2x128xf32, #tpu.memory_space<hbm>>
      %dma_start3A_677 = tpu.memref_squeeze %dma_start3A_676 : memref<1x224x2x128xf32, #tpu.memory_space<hbm>> -> memref<224x2x128xf32, #tpu.memory_space<hbm>>
      %dma_start3A_678 = arith.constant 0 : i32
      %dma_start3A_679 = arith.constant 0 : i32
      %dma_start3A_680 = tpu.memref_slice %arg4[%dma_start3A_673, %multiple_of3A_672, %dma_start3A_678, %dma_start3A_679] : memref<2x50000x2x128xf32, #tpu.memory_space<hbm>> -> memref<1x224x2x128xf32, #tpu.memory_space<hbm>>
      %dma_start3A_681 = tpu.memref_squeeze %dma_start3A_680 : memref<1x224x2x128xf32, #tpu.memory_space<hbm>> -> memref<224x2x128xf32, #tpu.memory_space<hbm>>
      tpu.enqueue_dma source(%arg8 : memref<224x2x128xf32, #tpu.memory_space<vmem>>) target(%dma_start3A_681 : memref<224x2x128xf32, #tpu.memory_space<hbm>>) target_semaphore(%arg13 : memref<!tpu.dma_semaphore, #tpu.memory_space<semaphore_mem>>)
      %dma_wait3A_682 = arith.constant 0 : i32
      %dma_wait3A_683 = arith.constant 0 : i32
      %dma_wait3A_684 = arith.constant 0 : i32
      %dma_wait3A_685 = arith.constant 0 : i32
      %dma_wait3A_686 = tpu.memref_slice %arg2[%dma_wait3A_682, %dma_wait3A_683, %dma_wait3A_684, %dma_wait3A_685] : memref<2x10000x2x128xf32, #tpu.memory_space<hbm>> -> memref<1x224x2x128xf32, #tpu.memory_space<hbm>>
      %dma_wait3A_687 = tpu.memref_squeeze %dma_wait3A_686 : memref<1x224x2x128xf32, #tpu.memory_space<hbm>> -> memref<224x2x128xf32, #tpu.memory_space<hbm>>
      %dma_wait3A_688 = arith.constant 0 : i32
      %dma_wait3A_689 = arith.constant 0 : i32
      %dma_wait3A_690 = arith.constant 0 : i32
      %dma_wait3A_691 = tpu.memref_slice %arg2[%dma_wait3A_682, %dma_wait3A_688, %dma_wait3A_689, %dma_wait3A_690] : memref<2x10000x2x128xf32, #tpu.memory_space<hbm>> -> memref<1x224x2x128xf32, #tpu.memory_space<hbm>>
      %dma_wait3A_692 = tpu.memref_squeeze %dma_wait3A_691 : memref<1x224x2x128xf32, #tpu.memory_space<hbm>> -> memref<224x2x128xf32, #tpu.memory_space<hbm>>
      tpu.wait_dma2 semaphore(%arg13 : memref<!tpu.dma_semaphore, #tpu.memory_space<semaphore_mem>>) src(%dma_wait3A_692 : memref<224x2x128xf32, #tpu.memory_space<hbm>>) dst(%arg8 : memref<224x2x128xf32, #tpu.memory_space<vmem>>)
      %dma_start3A_693 = arith.constant 1 : i32
      %dma_start3A_694 = arith.constant 0 : i32
      %dma_start3A_695 = arith.constant 0 : i32
      %dma_start3A_696 = arith.constant 0 : i32
      %dma_start3A_697 = tpu.memref_slice %arg8[%dma_start3A_694, %dma_start3A_695, %dma_start3A_696] : memref<224x2x128xf32, #tpu.memory_space<vmem>> -> memref<112x2x128xf32, #tpu.memory_space<vmem>>
      %dma_start3A_698 = arith.constant 0 : i32
      %dma_start3A_699 = tpu.memref_slice %arg5[%scan3A_582, %dma_start3A_698] : memref<7x112xi32, #tpu.memory_space<vmem>> -> memref<1x112xi32, #tpu.memory_space<vmem>>
      %dma_start3A_700 = tpu.memref_squeeze %dma_start3A_699 : memref<1x112xi32, #tpu.memory_space<vmem>> -> memref<112xi32, #tpu.memory_space<vmem>>
      %dma_start3A_701 = arith.constant 0 : i32
      %dma_start3A_702 = arith.constant 0 : i32
      %dma_start3A_703 = arith.constant 0 : i32
      %dma_start3A_704 = tpu.memref_slice %arg2[%dma_start3A_693, %dma_start3A_701, %dma_start3A_702, %dma_start3A_703] : memref<2x10000x2x128xf32, #tpu.memory_space<hbm>> -> memref<1x10000x2x128xf32, #tpu.memory_space<hbm>>
      %dma_start3A_705 = tpu.memref_squeeze %dma_start3A_704 : memref<1x10000x2x128xf32, #tpu.memory_space<hbm>> -> memref<10000x2x128xf32, #tpu.memory_space<hbm>>
      %dma_start3A_706 = arith.constant 0 : i32
      %dma_start3A_707 = arith.constant 0 : i32
      %dma_start3A_708 = arith.constant 0 : i32
      %dma_start3A_709 = tpu.memref_slice %dma_start3A_705[%dma_start3A_706, %dma_start3A_707, %dma_start3A_708] : memref<10000x2x128xf32, #tpu.memory_space<hbm>> -> memref<10000x2x128xf32, #tpu.memory_space<hbm>>
      tpu.enqueue_indirect_dma source(%dma_start3A_709 : memref<10000x2x128xf32, #tpu.memory_space<hbm>>) target(%dma_start3A_697 : memref<112x2x128xf32, #tpu.memory_space<vmem>>) offsets(%dma_start3A_700 : memref<112xi32, #tpu.memory_space<vmem>>) semaphore(%arg11 : memref<!tpu.dma_semaphore, #tpu.memory_space<semaphore_mem>>)
      %dma_start3A_710 = arith.constant 1 : i32
      %dma_start3A_711 = arith.constant 112 : i32
      %dma_start3A_712 = arith.constant 0 : i32
      %dma_start3A_713 = arith.constant 0 : i32
      %dma_start3A_714 = tpu.memref_slice %arg8[%dma_start3A_711, %dma_start3A_712, %dma_start3A_713] : memref<224x2x128xf32, #tpu.memory_space<vmem>> -> memref<112x2x128xf32, #tpu.memory_space<vmem>>
      %dma_start3A_715 = arith.constant 0 : i32
      %dma_start3A_716 = tpu.memref_slice %arg6[%scan3A_582, %dma_start3A_715] : memref<7x112xi32, #tpu.memory_space<vmem>> -> memref<1x112xi32, #tpu.memory_space<vmem>>
      %dma_start3A_717 = tpu.memref_squeeze %dma_start3A_716 : memref<1x112xi32, #tpu.memory_space<vmem>> -> memref<112xi32, #tpu.memory_space<vmem>>
      %dma_start3A_718 = arith.constant 0 : i32
      %dma_start3A_719 = arith.constant 0 : i32
      %dma_start3A_720 = arith.constant 0 : i32
      %dma_start3A_721 = tpu.memref_slice %arg2[%dma_start3A_710, %dma_start3A_718, %dma_start3A_719, %dma_start3A_720] : memref<2x10000x2x128xf32, #tpu.memory_space<hbm>> -> memref<1x10000x2x128xf32, #tpu.memory_space<hbm>>
      %dma_start3A_722 = tpu.memref_squeeze %dma_start3A_721 : memref<1x10000x2x128xf32, #tpu.memory_space<hbm>> -> memref<10000x2x128xf32, #tpu.memory_space<hbm>>
      %dma_start3A_723 = arith.constant 0 : i32
      %dma_start3A_724 = arith.constant 0 : i32
      %dma_start3A_725 = arith.constant 0 : i32
      %dma_start3A_726 = tpu.memref_slice %dma_start3A_722[%dma_start3A_723, %dma_start3A_724, %dma_start3A_725] : memref<10000x2x128xf32, #tpu.memory_space<hbm>> -> memref<10000x2x128xf32, #tpu.memory_space<hbm>>
      tpu.enqueue_indirect_dma source(%dma_start3A_726 : memref<10000x2x128xf32, #tpu.memory_space<hbm>>) target(%dma_start3A_714 : memref<112x2x128xf32, #tpu.memory_space<vmem>>) offsets(%dma_start3A_717 : memref<112xi32, #tpu.memory_space<vmem>>) semaphore(%arg11 : memref<!tpu.dma_semaphore, #tpu.memory_space<semaphore_mem>>)
      %dma_wait3A_727 = arith.constant 0 : i32
      %dma_wait3A_728 = arith.constant 0 : i32
      %dma_wait3A_729 = arith.constant 0 : i32
      %dma_wait3A_730 = arith.constant 0 : i32
      %dma_wait3A_731 = tpu.memref_slice %arg7[%dma_wait3A_728, %dma_wait3A_729, %dma_wait3A_730] : memref<224x2x128xf32, #tpu.memory_space<vmem>> -> memref<112x2x128xf32, #tpu.memory_space<vmem>>
      %dma_wait3A_732 = arith.constant 0 : i32
      %dma_wait3A_733 = arith.constant 0 : i32
      %dma_wait3A_734 = arith.constant 0 : i32
      %dma_wait3A_735 = tpu.memref_slice %arg2[%dma_wait3A_727, %dma_wait3A_732, %dma_wait3A_733, %dma_wait3A_734] : memref<2x10000x2x128xf32, #tpu.memory_space<hbm>> -> memref<1x112x2x128xf32, #tpu.memory_space<hbm>>
      %dma_wait3A_736 = tpu.memref_squeeze %dma_wait3A_735 : memref<1x112x2x128xf32, #tpu.memory_space<hbm>> -> memref<112x2x128xf32, #tpu.memory_space<hbm>>
      %dma_wait3A_737 = arith.constant 0 : i32
      %dma_wait3A_738 = arith.constant 0 : i32
      %dma_wait3A_739 = arith.constant 0 : i32
      %dma_wait3A_740 = tpu.memref_slice %arg7[%dma_wait3A_737, %dma_wait3A_738, %dma_wait3A_739] : memref<224x2x128xf32, #tpu.memory_space<vmem>> -> memref<112x2x128xf32, #tpu.memory_space<vmem>>
      %dma_wait3A_741 = arith.constant 0 : i32
      %dma_wait3A_742 = arith.constant 0 : i32
      %dma_wait3A_743 = arith.constant 0 : i32
      %dma_wait3A_744 = tpu.memref_slice %arg2[%dma_wait3A_727, %dma_wait3A_741, %dma_wait3A_742, %dma_wait3A_743] : memref<2x10000x2x128xf32, #tpu.memory_space<hbm>> -> memref<1x112x2x128xf32, #tpu.memory_space<hbm>>
      %dma_wait3A_745 = tpu.memref_squeeze %dma_wait3A_744 : memref<1x112x2x128xf32, #tpu.memory_space<hbm>> -> memref<112x2x128xf32, #tpu.memory_space<hbm>>
      tpu.wait_dma2 semaphore(%arg10 : memref<!tpu.dma_semaphore, #tpu.memory_space<semaphore_mem>>) src(%dma_wait3A_745 : memref<112x2x128xf32, #tpu.memory_space<hbm>>) dst(%dma_wait3A_740 : memref<112x2x128xf32, #tpu.memory_space<vmem>>)
      %dma_wait3A_746 = arith.constant 0 : i32
      %dma_wait3A_747 = arith.constant 0 : i32
      %dma_wait3A_748 = arith.constant 0 : i32
      %dma_wait3A_749 = arith.constant 0 : i32
      %dma_wait3A_750 = tpu.memref_slice %arg7[%dma_wait3A_747, %dma_wait3A_748, %dma_wait3A_749] : memref<224x2x128xf32, #tpu.memory_space<vmem>> -> memref<112x2x128xf32, #tpu.memory_space<vmem>>
      %dma_wait3A_751 = arith.constant 0 : i32
      %dma_wait3A_752 = arith.constant 0 : i32
      %dma_wait3A_753 = arith.constant 0 : i32
      %dma_wait3A_754 = tpu.memref_slice %arg2[%dma_wait3A_746, %dma_wait3A_751, %dma_wait3A_752, %dma_wait3A_753] : memref<2x10000x2x128xf32, #tpu.memory_space<hbm>> -> memref<1x112x2x128xf32, #tpu.memory_space<hbm>>
      %dma_wait3A_755 = tpu.memref_squeeze %dma_wait3A_754 : memref<1x112x2x128xf32, #tpu.memory_space<hbm>> -> memref<112x2x128xf32, #tpu.memory_space<hbm>>
      %dma_wait3A_756 = arith.constant 0 : i32
      %dma_wait3A_757 = arith.constant 0 : i32
      %dma_wait3A_758 = arith.constant 0 : i32
      %dma_wait3A_759 = tpu.memref_slice %arg7[%dma_wait3A_756, %dma_wait3A_757, %dma_wait3A_758] : memref<224x2x128xf32, #tpu.memory_space<vmem>> -> memref<112x2x128xf32, #tpu.memory_space<vmem>>
      %dma_wait3A_760 = arith.constant 0 : i32
      %dma_wait3A_761 = arith.constant 0 : i32
      %dma_wait3A_762 = arith.constant 0 : i32
      %dma_wait3A_763 = tpu.memref_slice %arg2[%dma_wait3A_746, %dma_wait3A_760, %dma_wait3A_761, %dma_wait3A_762] : memref<2x10000x2x128xf32, #tpu.memory_space<hbm>> -> memref<1x112x2x128xf32, #tpu.memory_space<hbm>>
      %dma_wait3A_764 = tpu.memref_squeeze %dma_wait3A_763 : memref<1x112x2x128xf32, #tpu.memory_space<hbm>> -> memref<112x2x128xf32, #tpu.memory_space<hbm>>
      tpu.wait_dma2 semaphore(%arg10 : memref<!tpu.dma_semaphore, #tpu.memory_space<semaphore_mem>>) src(%dma_wait3A_764 : memref<112x2x128xf32, #tpu.memory_space<hbm>>) dst(%dma_wait3A_759 : memref<112x2x128xf32, #tpu.memory_space<vmem>>)
      %add3A_765 = arith.addi %mul3A_2, %scan3A_582 : i32
      %mul3A_766 = arith.constant 224 : i32
      %mul3A_767 = arith.muli %add3A_765, %mul3A_766 : i32
      %min3A_768 = arith.constant 49776 : i32
      %min3A_769 = arith.minsi %mul3A_767, %min3A_768 : i32
      %multiple_of3A_770 = tpu.assume_multiple %min3A_769, 8 : i32
      %dma_start3A_771 = arith.constant 0 : i32
      %dma_start3A_772 = arith.constant 0 : i32
      %dma_start3A_773 = arith.constant 0 : i32
      %dma_start3A_774 = tpu.memref_slice %arg4[%dma_start3A_771, %multiple_of3A_770, %dma_start3A_772, %dma_start3A_773] : memref<2x50000x2x128xf32, #tpu.memory_space<hbm>> -> memref<1x224x2x128xf32, #tpu.memory_space<hbm>>
      %dma_start3A_775 = tpu.memref_squeeze %dma_start3A_774 : memref<1x224x2x128xf32, #tpu.memory_space<hbm>> -> memref<224x2x128xf32, #tpu.memory_space<hbm>>
      %dma_start3A_776 = arith.constant 0 : i32
      %dma_start3A_777 = arith.constant 0 : i32
      %dma_start3A_778 = tpu.memref_slice %arg4[%dma_start3A_771, %multiple_of3A_770, %dma_start3A_776, %dma_start3A_777] : memref<2x50000x2x128xf32, #tpu.memory_space<hbm>> -> memref<1x224x2x128xf32, #tpu.memory_space<hbm>>
      %dma_start3A_779 = tpu.memref_squeeze %dma_start3A_778 : memref<1x224x2x128xf32, #tpu.memory_space<hbm>> -> memref<224x2x128xf32, #tpu.memory_space<hbm>>
      tpu.enqueue_dma source(%arg7 : memref<224x2x128xf32, #tpu.memory_space<vmem>>) target(%dma_start3A_779 : memref<224x2x128xf32, #tpu.memory_space<hbm>>) target_semaphore(%arg12 : memref<!tpu.dma_semaphore, #tpu.memory_space<semaphore_mem>>)
    }
    %scan3A_505 = arith.constant 6 : i32
    %dma_wait3A_506 = arith.constant 0 : i32
    %dma_wait3A_507 = arith.constant 0 : i32
    %dma_wait3A_508 = arith.constant 0 : i32
    %dma_wait3A_509 = arith.constant 0 : i32
    %dma_wait3A_510 = tpu.memref_slice %arg8[%dma_wait3A_507, %dma_wait3A_508, %dma_wait3A_509] : memref<224x2x128xf32, #tpu.memory_space<vmem>> -> memref<112x2x128xf32, #tpu.memory_space<vmem>>
    %dma_wait3A_511 = arith.constant 0 : i32
    %dma_wait3A_512 = arith.constant 0 : i32
    %dma_wait3A_513 = arith.constant 0 : i32
    %dma_wait3A_514 = tpu.memref_slice %arg2[%dma_wait3A_506, %dma_wait3A_511, %dma_wait3A_512, %dma_wait3A_513] : memref<2x10000x2x128xf32, #tpu.memory_space<hbm>> -> memref<1x112x2x128xf32, #tpu.memory_space<hbm>>
    %dma_wait3A_515 = tpu.memref_squeeze %dma_wait3A_514 : memref<1x112x2x128xf32, #tpu.memory_space<hbm>> -> memref<112x2x128xf32, #tpu.memory_space<hbm>>
    %dma_wait3A_516 = arith.constant 0 : i32
    %dma_wait3A_517 = arith.constant 0 : i32
    %dma_wait3A_518 = arith.constant 0 : i32
    %dma_wait3A_519 = tpu.memref_slice %arg8[%dma_wait3A_516, %dma_wait3A_517, %dma_wait3A_518] : memref<224x2x128xf32, #tpu.memory_space<vmem>> -> memref<112x2x128xf32, #tpu.memory_space<vmem>>
    %dma_wait3A_520 = arith.constant 0 : i32
    %dma_wait3A_521 = arith.constant 0 : i32
    %dma_wait3A_522 = arith.constant 0 : i32
    %dma_wait3A_523 = tpu.memref_slice %arg2[%dma_wait3A_506, %dma_wait3A_520, %dma_wait3A_521, %dma_wait3A_522] : memref<2x10000x2x128xf32, #tpu.memory_space<hbm>> -> memref<1x112x2x128xf32, #tpu.memory_space<hbm>>
    %dma_wait3A_524 = tpu.memref_squeeze %dma_wait3A_523 : memref<1x112x2x128xf32, #tpu.memory_space<hbm>> -> memref<112x2x128xf32, #tpu.memory_space<hbm>>
    tpu.wait_dma2 semaphore(%arg11 : memref<!tpu.dma_semaphore, #tpu.memory_space<semaphore_mem>>) src(%dma_wait3A_524 : memref<112x2x128xf32, #tpu.memory_space<hbm>>) dst(%dma_wait3A_519 : memref<112x2x128xf32, #tpu.memory_space<vmem>>)
    %dma_wait3A_525 = arith.constant 0 : i32
    %dma_wait3A_526 = arith.constant 0 : i32
    %dma_wait3A_527 = arith.constant 0 : i32
    %dma_wait3A_528 = arith.constant 0 : i32
    %dma_wait3A_529 = tpu.memref_slice %arg8[%dma_wait3A_526, %dma_wait3A_527, %dma_wait3A_528] : memref<224x2x128xf32, #tpu.memory_space<vmem>> -> memref<112x2x128xf32, #tpu.memory_space<vmem>>
    %dma_wait3A_530 = arith.constant 0 : i32
    %dma_wait3A_531 = arith.constant 0 : i32
    %dma_wait3A_532 = arith.constant 0 : i32
    %dma_wait3A_533 = tpu.memref_slice %arg2[%dma_wait3A_525, %dma_wait3A_530, %dma_wait3A_531, %dma_wait3A_532] : memref<2x10000x2x128xf32, #tpu.memory_space<hbm>> -> memref<1x112x2x128xf32, #tpu.memory_space<hbm>>
    %dma_wait3A_534 = tpu.memref_squeeze %dma_wait3A_533 : memref<1x112x2x128xf32, #tpu.memory_space<hbm>> -> memref<112x2x128xf32, #tpu.memory_space<hbm>>
    %dma_wait3A_535 = arith.constant 0 : i32
    %dma_wait3A_536 = arith.constant 0 : i32
    %dma_wait3A_537 = arith.constant 0 : i32
    %dma_wait3A_538 = tpu.memref_slice %arg8[%dma_wait3A_535, %dma_wait3A_536, %dma_wait3A_537] : memref<224x2x128xf32, #tpu.memory_space<vmem>> -> memref<112x2x128xf32, #tpu.memory_space<vmem>>
    %dma_wait3A_539 = arith.constant 0 : i32
    %dma_wait3A_540 = arith.constant 0 : i32
    %dma_wait3A_541 = arith.constant 0 : i32
    %dma_wait3A_542 = tpu.memref_slice %arg2[%dma_wait3A_525, %dma_wait3A_539, %dma_wait3A_540, %dma_wait3A_541] : memref<2x10000x2x128xf32, #tpu.memory_space<hbm>> -> memref<1x112x2x128xf32, #tpu.memory_space<hbm>>
    %dma_wait3A_543 = tpu.memref_squeeze %dma_wait3A_542 : memref<1x112x2x128xf32, #tpu.memory_space<hbm>> -> memref<112x2x128xf32, #tpu.memory_space<hbm>>
    tpu.wait_dma2 semaphore(%arg11 : memref<!tpu.dma_semaphore, #tpu.memory_space<semaphore_mem>>) src(%dma_wait3A_543 : memref<112x2x128xf32, #tpu.memory_space<hbm>>) dst(%dma_wait3A_538 : memref<112x2x128xf32, #tpu.memory_space<vmem>>)
    %add3A_544 = arith.constant 6 : i32
    %add3A_545 = arith.addi %mul3A_2, %add3A_544 : i32
    %mul3A_546 = arith.constant 224 : i32
    %mul3A_547 = arith.muli %add3A_545, %mul3A_546 : i32
    %min3A_548 = arith.constant 49776 : i32
    %min3A_549 = arith.minsi %mul3A_547, %min3A_548 : i32
    %multiple_of3A_550 = tpu.assume_multiple %min3A_549, 8 : i32
    %dma_start3A_551 = arith.constant 1 : i32
    %dma_start3A_552 = arith.constant 0 : i32
    %dma_start3A_553 = arith.constant 0 : i32
    %dma_start3A_554 = tpu.memref_slice %arg4[%dma_start3A_551, %multiple_of3A_550, %dma_start3A_552, %dma_start3A_553] : memref<2x50000x2x128xf32, #tpu.memory_space<hbm>> -> memref<1x224x2x128xf32, #tpu.memory_space<hbm>>
    %dma_start3A_555 = tpu.memref_squeeze %dma_start3A_554 : memref<1x224x2x128xf32, #tpu.memory_space<hbm>> -> memref<224x2x128xf32, #tpu.memory_space<hbm>>
    %dma_start3A_556 = arith.constant 0 : i32
    %dma_start3A_557 = arith.constant 0 : i32
    %dma_start3A_558 = tpu.memref_slice %arg4[%dma_start3A_551, %multiple_of3A_550, %dma_start3A_556, %dma_start3A_557] : memref<2x50000x2x128xf32, #tpu.memory_space<hbm>> -> memref<1x224x2x128xf32, #tpu.memory_space<hbm>>
    %dma_start3A_559 = tpu.memref_squeeze %dma_start3A_558 : memref<1x224x2x128xf32, #tpu.memory_space<hbm>> -> memref<224x2x128xf32, #tpu.memory_space<hbm>>
    tpu.enqueue_dma source(%arg8 : memref<224x2x128xf32, #tpu.memory_space<vmem>>) target(%dma_start3A_559 : memref<224x2x128xf32, #tpu.memory_space<hbm>>) target_semaphore(%arg13 : memref<!tpu.dma_semaphore, #tpu.memory_space<semaphore_mem>>)
    %dma_wait3A_560 = arith.constant 0 : i32
    %dma_wait3A_561 = arith.constant 0 : i32
    %dma_wait3A_562 = arith.constant 0 : i32
    %dma_wait3A_563 = arith.constant 0 : i32
    %dma_wait3A_564 = tpu.memref_slice %arg2[%dma_wait3A_560, %dma_wait3A_561, %dma_wait3A_562, %dma_wait3A_563] : memref<2x10000x2x128xf32, #tpu.memory_space<hbm>> -> memref<1x224x2x128xf32, #tpu.memory_space<hbm>>
    %dma_wait3A_565 = tpu.memref_squeeze %dma_wait3A_564 : memref<1x224x2x128xf32, #tpu.memory_space<hbm>> -> memref<224x2x128xf32, #tpu.memory_space<hbm>>
    %dma_wait3A_566 = arith.constant 0 : i32
    %dma_wait3A_567 = arith.constant 0 : i32
    %dma_wait3A_568 = arith.constant 0 : i32
    %dma_wait3A_569 = tpu.memref_slice %arg2[%dma_wait3A_560, %dma_wait3A_566, %dma_wait3A_567, %dma_wait3A_568] : memref<2x10000x2x128xf32, #tpu.memory_space<hbm>> -> memref<1x224x2x128xf32, #tpu.memory_space<hbm>>
    %dma_wait3A_570 = tpu.memref_squeeze %dma_wait3A_569 : memref<1x224x2x128xf32, #tpu.memory_space<hbm>> -> memref<224x2x128xf32, #tpu.memory_space<hbm>>
    tpu.wait_dma2 semaphore(%arg12 : memref<!tpu.dma_semaphore, #tpu.memory_space<semaphore_mem>>) src(%dma_wait3A_570 : memref<224x2x128xf32, #tpu.memory_space<hbm>>) dst(%arg7 : memref<224x2x128xf32, #tpu.memory_space<vmem>>)
    %dma_wait3A_571 = arith.constant 0 : i32
    %dma_wait3A_572 = arith.constant 0 : i32
    %dma_wait3A_573 = arith.constant 0 : i32
    %dma_wait3A_574 = arith.constant 0 : i32
    %dma_wait3A_575 = tpu.memref_slice %arg2[%dma_wait3A_571, %dma_wait3A_572, %dma_wait3A_573, %dma_wait3A_574] : memref<2x10000x2x128xf32, #tpu.memory_space<hbm>> -> memref<1x224x2x128xf32, #tpu.memory_space<hbm>>
    %dma_wait3A_576 = tpu.memref_squeeze %dma_wait3A_575 : memref<1x224x2x128xf32, #tpu.memory_space<hbm>> -> memref<224x2x128xf32, #tpu.memory_space<hbm>>
    %dma_wait3A_577 = arith.constant 0 : i32
    %dma_wait3A_578 = arith.constant 0 : i32
    %dma_wait3A_579 = arith.constant 0 : i32
    %dma_wait3A_580 = tpu.memref_slice %arg2[%dma_wait3A_571, %dma_wait3A_577, %dma_wait3A_578, %dma_wait3A_579] : memref<2x10000x2x128xf32, #tpu.memory_space<hbm>> -> memref<1x224x2x128xf32, #tpu.memory_space<hbm>>
    %dma_wait3A_581 = tpu.memref_squeeze %dma_wait3A_580 : memref<1x224x2x128xf32, #tpu.memory_space<hbm>> -> memref<224x2x128xf32, #tpu.memory_space<hbm>>
    tpu.wait_dma2 semaphore(%arg13 : memref<!tpu.dma_semaphore, #tpu.memory_space<semaphore_mem>>) src(%dma_wait3A_581 : memref<224x2x128xf32, #tpu.memory_space<hbm>>) dst(%arg8 : memref<224x2x128xf32, #tpu.memory_space<vmem>>)
    return
  }
}

</mosaic_0001>

<sc_bundles>
// kernel: kernel.3.cloned.1.call-start
scs
__scs_entry_jumppad:
0x0: {  	(pc) =	sbr.rel $0x88, $3  }
0x1: {  	(tag) =	ssettag $0x0;
	lr =	simm.s32 $0x1  }
0x2: {  	[smem:$0x3F9F] =	sst lr;
	_ =	strace $0xD0000000  }
0x3: {  	_ = 	snop  }
0x4: {  	_ = 	snop  }
0x5: {  	_ = 	snop  }
0x6: {  	_ = 	snop  }
0x7: {  	_ = 	snop  }
__scs_overlays_trampoline_lowered:
0x8: {  	[smem:$0x3FAE] =	sst s0  }
0x9: {  	[smem:$0x3FAF] =	sst s1  }
0xa: {  	[smem:$0x3FB0] =	sst s2  }
0xb: {  	[smem:$0x3FB1] =	sst s3  }
0xc: {  	[smem:$0x3FB2] =	sst s4  }
0xd: {  	[smem:$0x3FB3] =	sst s5  }
0xe: {  	[smem:$0x3FB4] =	sst s6  }
0xf: {  	[smem:$0x3FB5] =	sst s7  }
0x10: {  	[smem:$0x3FB6] =	sst s8  }
0x11: {  	[smem:$0x3FB7] =	sst s9;
	s0 =	simm.s32 @!p0 $0x0  }
0x12: {  	s1 =	sld [smem:$0x3F9D];
	s0 =	simm.s32 @p0 $0x1  }
0x13: {  	[smem:$0x3FB8] =	sst s0;
	s0 =	simm.s32 @!p1 $0x0  }
0x14: {  	s2 =	sld [smem:$0x3F9C];
	s0 =	simm.s32 @p1 $0x1  }
0x15: {  	[smem:$0x3FB9] =	sst s0;
	s0 =	simm.s32 @!p2 $0x0  }
0x16: {  	s3 =	sld [smem:$0x3FDB];
	s0 =	simm.s32 @p2 $0x1  }
0x17: {  	s4 =	simm.s32 $0x1BF5;
	[smem:$0x3FBB] =	sst s0  }
0x18: {  	s0 =	sld [smem:$0x3F9E];
	_ =	swait.ge [sflag:s4], $0x0  }
0x19: {  	s7 =	sld [smem:$0x3F9F]  }
0x1a: {  	s8 =	sadd.s32 $0xFFFFE003, lr  }
0x1b: {  	s9 =	sadd.s32 $0xFFFFFEF7, lr;
	s5 =	simm.s32 $0xFFFFFFFF;
	p2 =	slt.u32 s8, $0xFFFFF086  }
0x1c: {  	p1 =	slt.u32 s9, $0xF7A;
	s5 =	simm.s32 @!p2 $0x0  }
0x1d: {  	s5 =	simm.s32 @p1 $0x1;
	p0 =	seq.s32 s7, s2  }
0x1e: {  	s7 =	smul.u32 @!p0 $0xF7A, s2;
	p2 =	seq.s32 @!p0 s5, $0x0  }
0x1f: {  	s9 =	smul.u32 $0xF7A, s1;
	s8 =	simm.s32 @!p0 $0x1BF5;
	p2 =	por !p2, p0  }
0x20: {  	[sflag:s8] =	ssyncset.s32 @!p0 $0xFFFFF086;
	s6 =	sadd.s32 @!p0 s3, s7;
	s7 =	simm.s32 @!p0 $0x108  }
0x21: {  	s3 =	sadd.s32 s3, s9;
	s6 =	sadd.s32 @!p0 $0x88, s6;
	s7 =	simm.s32 @p2 $0x1082  }
0x22: {  	[simem:s7], [sflag:s8] =	dma.local @!p0 [hbm:s6], $0xF7A  }
0x23: {  	s9 =	sor.u32 $0xD0000000, s2;
	s6 =	simm.s32 $0x108;
	_ =	swait.ge @!p0 [sflag:s8], $0x0  }
0x24: {  	s3 =	sadd.s32 $0x88, s3;
	s6 =	simm.s32 @!p1 $0x1082;
	[sflag:s4] =	ssyncset.s32 $0xFFFFF086  }
0x25: {  	[simem:s6], [sflag:s4] =	dma.local [hbm:s3], $0xF7A  }
0x26: {  	[smem:$0x3F9F] =	sst s1;
	(tag) =	ssettag s2;
	_ =	strace s9  }
0x27: {  	s1 =	sld [smem:$0x3FAF]  }
0x28: {  	s2 =	sld [smem:$0x3FB0]  }
0x29: {  	s4 =	sld [smem:$0x3FB2]  }
0x2a: {  	p0 =	seq.s32 s5, $0x0;
	s5 =	sld [smem:$0x3FB3]  }
0x2b: {  	s6 =	sld [smem:$0x3FB4]  }
0x2c: {  	s7 =	sld [smem:$0x3FB5]  }
0x2d: {  	s3 =	simm.s32 $0x108;
	s8 =	sld [smem:$0x3FB6]  }
0x2e: {  	s3 =	simm.s32 @!p0 $0x1082;
	s9 =	sld [smem:$0x3FB7]  }
0x2f: {  	lr =	sadd.s32 s0, s3;
	s0 =	sld [smem:$0x3FAE]  }
0x30: {  	s3 =	sld [smem:$0x3FB1]  }
0x31: {  	[smem:$0x3FBA] =	sst s10  }
0x32: {  	s10 =	sld [smem:$0x3FB8];
	_ =	sdelay $0x3  }
0x33: {  	p0 =	seq.s32 s10, $0x1;
	s10 =	sld [smem:$0x3FBA];
	_ =	sdelay $0x3  }
0x34: {  	[smem:$0x3FBA] =	sst s10  }
0x35: {  	s10 =	sld [smem:$0x3FB9];
	_ =	sdelay $0x3  }
0x36: {  	p1 =	seq.s32 s10, $0x1;
	s10 =	sld [smem:$0x3FBA];
	_ =	sdelay $0x3  }
0x37: {  	[smem:$0x3FBA] =	sst s10  }
0x38: {  	s10 =	sld [smem:$0x3FBB]  }
0x39: {  	_ = 	snop;
	(pc) =	sbr.ind lr, $3  }
0x3a: {  	_ = 	snop  }
0x3b: {  	_ = 	snop  }
0x3c: {  	p2 =	seq.s32 s10, $0x1;
	s10 =	sld [smem:$0x3FBA]  }
0x3d: {  	_ =	shalt  }
0x3e: {  	_ =	shalt  }
0x3f: {  	_ =	shalt  }
0x40: {  	_ =	shalt  }
0x41: {  	_ =	shalt  }
0x42: {  	_ =	shalt  }
0x43: {  	_ =	shalt  }
0x44: {  	_ =	shalt  }
0x45: {  	_ =	shalt  }
0x46: {  	_ =	shalt  }
0x47: {  	_ =	shalt  }
0x48: {  	_ =	shalt  }
0x49: {  	_ =	shalt  }
0x4a: {  	_ =	shalt  }
0x4b: {  	_ =	shalt  }
0x4c: {  	_ =	shalt  }
0x4d: {  	_ =	shalt  }
0x4e: {  	_ =	shalt  }
0x4f: {  	_ =	shalt  }
0x50: {  	_ =	shalt  }
0x51: {  	_ =	shalt  }
0x52: {  	_ =	shalt  }
0x53: {  	_ =	shalt  }
0x54: {  	_ =	shalt  }
0x55: {  	_ =	shalt  }
0x56: {  	_ =	shalt  }
0x57: {  	_ =	shalt  }
0x58: {  	_ =	shalt  }
0x59: {  	_ =	shalt  }
0x5a: {  	_ =	shalt  }
0x5b: {  	_ =	shalt  }
0x5c: {  	_ =	shalt  }
0x5d: {  	_ =	shalt  }
0x5e: {  	_ =	shalt  }
0x5f: {  	_ =	shalt  }
0x60: {  	_ =	shalt  }
0x61: {  	_ =	shalt  }
0x62: {  	_ =	shalt  }
0x63: {  	_ =	shalt  }
0x64: {  	_ =	shalt  }
0x65: {  	_ =	shalt  }
0x66: {  	_ =	shalt  }
0x67: {  	_ =	shalt  }
0x68: {  	_ =	shalt  }
0x69: {  	_ =	shalt  }
0x6a: {  	_ =	shalt  }
0x6b: {  	_ =	shalt  }
0x6c: {  	_ =	shalt  }
0x6d: {  	_ =	shalt  }
0x6e: {  	_ =	shalt  }
0x6f: {  	_ =	shalt  }
0x70: {  	_ =	shalt  }
0x71: {  	_ =	shalt  }
0x72: {  	_ =	shalt  }
0x73: {  	_ =	shalt  }
0x74: {  	_ =	shalt  }
0x75: {  	_ =	shalt  }
0x76: {  	_ =	shalt  }
0x77: {  	_ =	shalt  }
0x78: {  	_ =	shalt  }
0x79: {  	_ =	shalt  }
0x7a: {  	_ =	shalt  }
0x7b: {  	_ =	shalt  }
0x7c: {  	_ =	shalt  }
0x7d: {  	_ =	shalt  }
0x7e: {  	_ =	shalt  }
0x7f: {  	_ =	shalt  }
0x80: {  	_ =	shalt  }
0x81: {  	_ =	shalt  }
0x82: {  	_ =	shalt  }
0x83: {  	_ =	shalt  }
0x84: {  	_ =	shalt  }
0x85: {  	_ =	shalt  }
0x86: {  	_ =	shalt  }
0x87: {  	_ =	shalt  }
.Lfunc_end0:
.L_simem_size_0:
called_computation_lowered:
.L_overlay_start_0:
0x88: {  	s2 =	sld [smem:$0x3FD9]  }
0x89: {  	s3 =	sld [smem:$0x3FFE];
	_ =	sdelay $0x1  }
0x8a: {  	s1 =	srdreg.scid  }
0x8b: {  	s0 =	sand.u32 $0x1, s1  }
0x8c: {  	s18 =	sshll.u32 s0, $0xA;
	s2 =	sadd.s32 s3, s2  }
0x8d: {  	s2 =	sadd.s32 s2, s18  }
0x8e: {  	[smem:$0x3FC6] =	sst s2  }
0x8f: {  	_ = 	snop  }
0x90: {  	s2 =	sld [smem:$0x3FC9]  }
0x91: {  	s19 =	sld [smem:$0x3FC8]  }
0x92: {  	s4 =	sld [smem:$0x3FD0];
	(tm) =	ssettm $0x1  }
0x93: {  	s5 =	sld [smem:$0x3FFB];
	_ =	sdelay $0x3  }
0x94: {  	_ =	strace s5  }
0x95: {  	s5 =	sld [smem:$0x3FFC];
	_ =	sdelay $0x3  }
0x96: {  	_ =	strace s5  }
0x97: {  	s5 =	sld [smem:$0x3FFD];
	_ =	sdelay $0x3  }
0x98: {  	_ =	strace s5  }
0x99: {  	_ =	strace $0x8FFFFFFF  }
0x9a: {  	s20 =	sld [smem:$0x3FDB];
	_ =	sdelay $0x1  }
0x9b: {  	s6 =	simm.s32 $_scs_section_size  }
0x9c: {  	s7 =	simm.s32 $_size__tile_overlayer_lowered;
	s8 =	simm.s32 $_tile_overlayer_lowered  }
0x9d: {  	s23 =	simm.s32 $0x1BFF;
	s22 =	sshll.u32 s8, $0x1;
	s5 =	sadd.s32 s6, s20  }
0x9e: {  	s9 =	simm.s32 $0x0;
	s21 =	sshll.u32 s7, $0x1;
	s7 =	sadd.s32 s22, s5  }
0x9f: {  	[timem:s9], [sflag:s23] =	dma.local [hbm:s7], s21  }
0xa0: {  	_ =	swait.ge [sflag:s23], s21  }
0xa1: {  	s6 =	ssub.s32 $0x0, s21;
	[sflag:s23] =	ssyncset.done $0x0  }
0xa2: {  	[sflag:s23] =	ssyncadd.s32 s6;
	_ =	sdelay $0x1  }
0xa3: {  	s24 =	simm.s32 $0x1B8B  }
0xa4: {  	_ =	swait.ge [sflag:s24], $0x1  }
0xa5: {  	[sflag:s24] =	ssyncset.done $0x0  }
0xa6: {  	s25 =	simm.s32 $0x1B8E;
	[sflag:s24] =	ssyncadd.s32 $0xFFFFFFFF  }
0xa7: {  	s26 =	simm.s32 $execute0_lowered;
	[smem:$0x3FD2] =	sst s25  }
0xa8: {  	s6 =	sshll.u32 s26, $0x1;
	_ =	strace $0x80000046;
	[dreg:$0x1] =	wrdreg $0xFFFFFFFF  }
0xa9: {  	s28 =	simm.s32 $_size_execute0_lowered;
	s5 =	sadd.s32 s5, s6;
	[dreg:$0x0] =	wrdreg $0x0  }
0xaa: {  	s6 =	sshll.u32 s28, $0x1;
	[dreg:$0x2] =	wrdreg s5  }
0xab: {  	[dreg:$0x3] =	wrdreg s6  }
0xac: {  	[dreg:$0x4] =	wrdreg $0xC0  }
0xad: {  	_ =	task [dreg:s9], $0x5FFFF  }
0xae: {  	[dreg:$0x1] =	wrdreg $0xFFFFFFFF  }
0xaf: {  	[dreg:$0x0] =	wrdreg $0x60  }
0xb0: {  	[dreg:$0x2] =	wrdreg s2  }
0xb1: {  	[dreg:$0x3] =	wrdreg s19  }
0xb2: {  	[dreg:$0x4] =	wrdreg s4  }
0xb3: {  	[dreg:$0x5] =	wrdreg $0x9  }
0xb4: {  	_ =	task.clear_ibuf [dreg:s9], $0x6FFFF;
	_ =	strace $0x90000046  }
0xb5: {  	s29 =	simm.s32 $0x9;
	_ =	strace $0x80000048  }
0xb6: {  	_ =	swait.ge [sflag:s29], $0x1  }
0xb7: {  	[sflag:s29] =	ssyncadd.s32 $0xFFFFFFFF  }
0xb8: {  	_ =	strace $0x90000048  }
0xb9: {  	_ =	sfence  }
0xba: {  	s30 =	sld [smem:$0x0];
	_ =	sdelay $0x2  }
0xbb: {  	s31 =	sshll.u32 s1, $0xD;
	s1 =	sshrl.u32 s1, $0x2  }
0xbc: {  	s3 =	sand.u32 $0x4000, s31;
	s1 =	sadd.s32 s1, s30  }
0xbd: {  	s0 =	sor.u32 s3, s0;
	s1 =	sshll.u32 s1, $0x11  }
0xbe: {  	s0 =	sor.u32 s1, s0  }
0xbf: {  	s0 =	sadd.s32 $0x8F2B, s0  }
0xc0: {  	[sflag:s0] =	ssyncadd.remote.s32 $0x1  }
0xc1: {  	_ =	sfence.sel $0xFFFF  }
0xc2: {  	[dreg:$0x0] =	wrdreg $0xFFFFFFFF;
	(pc) =	sbr.abs _section_cstart, $3  }
0xc3: {  	[dreg:$0x1] =	wrdreg $0xFFFFFFFF  }
0xc4: {  	_ =	task.clear_ibuf [dreg:s9], $0x2FFFF;
	_ =	strace $0x9FFFFFFF  }
0xc5: {  	(tm) =	ssettm $0x7FFFFFFF  }
tec
execute0_lowered:
.L_overlay_start_1:
0x0: {  	(tag) =	ssettag $0x1  }
0x1: {  	s1 =	rddreg [dreg:$0x0]  }
0x2: {  	s0 =	srdreg.scid;
	s6 =	rddreg [dreg:$0x1]  }
0x3: {  	s13 =	stileid.u32;
	s3 =	rddreg [dreg:$0x2]  }
0x4: {  	s4 =	simm.s32 $0x0;
	s31 =	simm.s32 $0x1;
	s28 =	simm.s32 $0xE800  }
0x5: {  	s0 =	sand.u32 $0x1, s0;
	s2 =	sshll.u32 s13, $0x1;
	s10 =	smul.u32 $0xE, s13  }
0x6: {  	s29 =	simm.s32 $0x15800;
	s25 =	smul.u32 $0xC4000, s13;
	s2 =	sor.u32 s0, s2  }
0x7: {  	s30 =	simm.s32 $0x2;
	[smem:$0x7FF] =	sst s4;
	s7 =	smul.u32 $0x620, s2  }
0x8: {  	s8 =	ssub.s32 $0x2, s0;
	_ =	strace $0x80000047;
	s12 =	smul.u32 $0x7, s0  }
0x9: {  	s0 =	smul.u32 $0x62000, s0;
	s9 =	sshrl.u32 s8, $0x1;
	s5 =	sshrl.u32 s7, $0x3  }
0xa: {  	s2 =	smul.u32 $0xC400, s2;
	s8 =	ssub.s32 s8, s9;
	s5 =	sadd.s32 s6, s5  }
0xb: {  	s26 =	sadd.s32 s12, s10;
	s0 =	sadd.s32 s0, s25;
	s15 =	sadd.s32 $0xE, s5  }
0xc: {  	s25 =	simm.s32 $0x400;
	s16 =	sadd.s32 $0x1C, s5;
	[dreg:$0x4] =	wrdreg s15  }
0xd: {  	s7 =	smin.u32 s7, $0xBD30;
	s17 =	sadd.s32 $0x2A, s5;
	[dreg:$0x5] =	wrdreg s16  }
0xe: {  	s0 =	sadd.s32 $0xC35000, s0;
	s18 =	sadd.s32 $0x38, s5;
	[dreg:$0x6] =	wrdreg s17  }
0xf: {  	s24 =	sadd.s32 $0x540, s7;
	s19 =	sadd.s32 $0x46, s5;
	[dreg:$0x7] =	wrdreg s18  }
0x10: {  	s7 =	sshrl.u32 s7, $0x3;
	s20 =	sadd.s32 $0x54, s5;
	[dreg:$0x8] =	wrdreg s19  }
0x11: {  	s0 =	sshrl.u32 s0, $0x3;
	s21 =	sadd.s32 $0x62, s5;
	[dreg:$0x9] =	wrdreg s20  }
0x12: {  	s22 =	sadd.s32 $0x70, s5;
	s23 =	sadd.s32 $0x7E, s5;
	[dreg:$0xa] =	wrdreg s21  }
0x13: {  	s11 =	sshrl.u32 s24, $0x3;
	s9 =	sshll.u32 s24, $0x5;
	[dreg:$0xb] =	wrdreg s22  }
0x14: {  	s24 =	sadd.s32 s0, s3;
	s0 =	simm.s32 $0x800;
	[dreg:$0xc] =	wrdreg s23  }
0x15: {  	s15 =	sadd.s32 $0x8C, s5;
	s16 =	sadd.s32 $0x9A, s5;
	s17 =	sadd.s32 s6, s11  }
0x16: {  	s6 =	sadd.s32 s6, s7;
	s19 =	sadd.s32 $0x4E200, s1;
	s9 =	sadd.s32 s9, s3  }
0x17: {  	s20 =	sadd.s32 s3, s2;
	s22 =	smax.u32 s8, $0x1;
	s2 =	simm.s32 $0x70  }
0x18: {  	s7 =	simm.s32 $0x3;
	s18 =	sadd.s32 $0xB6, s6;
	s6 =	smul.u32 $0xE0, s26  }
0x19: {  	s8 =	simm.s32 $0x5;
	s21 =	sadd.s32 $0x186A00, s9;
	s26 =	simm.s32 $0x7800  }
0x1a: {  	s9 =	simm.s32 $0x0;
	s23 =	sadd.s32 $0xE0, s6;
	s6 =	simm.s32 $0x4  }
.LBB2_1:
0x1b: {  	[tilespmem:s4], [sflag:$0x1] =	stream.linear.gather [hbm4b:s5+s4], $0x70, $0x38;
	[tilespmem:$0x1C800] =	vst v63  }
0x1c: {  	s10 =	rddreg [dreg:$0x4]  }
0x1d: {  	[tilespmem:s25], [sflag:$0x1] =	stream.linear.gather [hbm4b:s10+s4], $0x70, $0x38;
	[tilespmem:$0x1C800] =	vst v63  }
0x1e: {  	s12 =	rddreg [dreg:$0x5];
	s11 =	simm.s32 $0x80  }
0x1f: {  	[tilespmem:s11], [sflag:$0x1] =	stream.linear.gather [hbm4b:s12+s4], $0x70, $0x38;
	[tilespmem:$0x1C800] =	vst v63  }
0x20: {  	s13 =	rddreg [dreg:$0x6];
	s14 =	simm.s32 $0x480  }
0x21: {  	[tilespmem:s14], [sflag:$0x1] =	stream.linear.gather [hbm4b:s13+s4], $0x70, $0x38;
	[tilespmem:$0x1C800] =	vst v63  }
0x22: {  	s11 =	rddreg [dreg:$0x7];
	s12 =	simm.s32 $0x100  }
0x23: {  	[tilespmem:s12], [sflag:$0x1] =	stream.linear.gather [hbm4b:s11+s4], $0x70, $0x38;
	[tilespmem:$0x1C800] =	vst v63  }
0x24: {  	s13 =	rddreg [dreg:$0x8];
	s14 =	simm.s32 $0x500  }
0x25: {  	[tilespmem:s14], [sflag:$0x1] =	stream.linear.gather [hbm4b:s13+s4], $0x70, $0x38;
	[tilespmem:$0x1C800] =	vst v63  }
0x26: {  	s11 =	rddreg [dreg:$0x9];
	s12 =	simm.s32 $0x180  }
0x27: {  	[tilespmem:s12], [sflag:$0x1] =	stream.linear.gather [hbm4b:s11+s4], $0x70, $0x38;
	[tilespmem:$0x1C800] =	vst v63  }
0x28: {  	s13 =	rddreg [dreg:$0xa];
	s14 =	simm.s32 $0x580  }
0x29: {  	[tilespmem:s14], [sflag:$0x1] =	stream.linear.gather [hbm4b:s13+s4], $0x70, $0x38;
	[tilespmem:$0x1C800] =	vst v63  }
0x2a: {  	s11 =	simm.s32 $0x200;
	s12 =	rddreg [dreg:$0xb]  }
0x2b: {  	[tilespmem:s11], [sflag:$0x1] =	stream.linear.gather [hbm4b:s12+s4], $0x70, $0x38;
	[tilespmem:$0x1C800] =	vst v63  }
0x2c: {  	s13 =	rddreg [dreg:$0xc];
	s14 =	simm.s32 $0x600  }
0x2d: {  	[tilespmem:s14], [sflag:$0x1] =	stream.linear.gather [hbm4b:s13+s4], $0x70, $0x38;
	[tilespmem:$0x1C800] =	vst v63  }
0x2e: {  	s12 =	simm.s32 $0x280  }
0x2f: {  	[tilespmem:s12], [sflag:$0x1] =	stream.linear.gather [hbm4b:s15+s4], $0x70, $0x38;
	[tilespmem:$0x1C800] =	vst v63  }
0x30: {  	s13 =	simm.s32 $0x680  }
0x31: {  	[tilespmem:s13], [sflag:$0x1] =	stream.linear.gather [hbm4b:s16+s4], $0x70, $0x38;
	[tilespmem:$0x1C800] =	vst v63  }
0x32: {  	s14 =	simm.s32 $0x300  }
0x33: {  	[tilespmem:s14], [sflag:$0x1] =	stream.linear.gather [hbm4b:s17+s4], $0x70, $0x38;
	[tilespmem:$0x1C800] =	vst v63  }
0x34: {  	s11 =	simm.s32 $0x700  }
0x35: {  	[tilespmem:s11], [sflag:$0x1] =	stream.linear.gather [hbm4b:s18+s4], $0x70, $0x38;
	[tilespmem:$0x1C800] =	vst v63  }
0x36: {  	_ =	swait.ge [sflag:s31], $0x70  }
0x37: {  	[sflag:s31] =	ssyncset.done $0x0  }
0x38: {  	[sflag:s31] =	ssyncadd.s32 $0xFFFFFF90  }
0x39: {  	_ =	swait.ge [sflag:s31], $0x70  }
0x3a: {  	[sflag:s31] =	ssyncset.done $0x0  }
0x3b: {  	[sflag:s31] =	ssyncadd.s32 $0xFFFFFF90  }
0x3c: {  	[tilespmem:s0], [sflag:$0x2] =	stream.indirect.gather [hbm4b:s1+s2], $0x100, s4, s2, $0xb8;
	[tilespmem:$0x1C800] =	vst v63  }
0x3d: {  	_ = 	snop  }
0x3e: {  	[tilespmem:s26], [sflag:$0x2] =	stream.indirect.gather [hbm4b:s1+s2], $0x100, s25, s2, $0xb8;
	[tilespmem:$0x1C800] =	vst v63  }
0x3f: {  	_ = 	snop  }
0x40: {  	[tilespmem:s28], [sflag:$0x3] =	stream.indirect.gather [hbm4b:s19+s2], $0x100, s4, s2, $0xb8;
	[tilespmem:$0x1C800] =	vst v63  }
0x41: {  	_ = 	snop  }
0x42: {  	[tilespmem:s29], [sflag:$0x3] =	stream.indirect.gather [hbm4b:s19+s2], $0x100, s25, s2, $0xb8;
	[tilespmem:$0x1C800] =	vst v63  }
0x43: {  	_ =	swait.ge [sflag:s31], $0x70  }
0x44: {  	[sflag:s31] =	ssyncset.done $0x0  }
0x45: {  	[sflag:s31] =	ssyncadd.s32 $0xFFFFFF90  }
0x46: {  	_ =	swait.ge [sflag:s31], $0x70  }
0x47: {  	[sflag:s31] =	ssyncset.done $0x0  }
0x48: {  	[sflag:s31] =	ssyncadd.s32 $0xFFFFFF90  }
0x49: {  	_ =	swait.ge [sflag:s31], $0x70  }
0x4a: {  	[sflag:s31] =	ssyncset.done $0x0  }
0x4b: {  	[sflag:s31] =	ssyncadd.s32 $0xFFFFFF90  }
0x4c: {  	_ =	swait.ge [sflag:s31], $0x70  }
0x4d: {  	[sflag:s31] =	ssyncset.done $0x0  }
0x4e: {  	[sflag:s31] =	ssyncadd.s32 $0xFFFFFF90  }
0x4f: {  	_ =	swait.ge [sflag:s31], $0x70  }
0x50: {  	[sflag:s31] =	ssyncset.done $0x0  }
0x51: {  	[sflag:s31] =	ssyncadd.s32 $0xFFFFFF90  }
0x52: {  	_ =	swait.ge [sflag:s31], $0x70  }
0x53: {  	[sflag:s31] =	ssyncset.done $0x0  }
0x54: {  	[sflag:s31] =	ssyncadd.s32 $0xFFFFFF90  }
0x55: {  	_ =	swait.ge [sflag:s31], $0x70  }
0x56: {  	[sflag:s31] =	ssyncset.done $0x0  }
0x57: {  	[sflag:s31] =	ssyncadd.s32 $0xFFFFFF90  }
0x58: {  	_ =	swait.ge [sflag:s31], $0x70  }
0x59: {  	[sflag:s31] =	ssyncset.done $0x0  }
0x5a: {  	[sflag:s31] =	ssyncadd.s32 $0xFFFFFF90  }
0x5b: {  	_ =	swait.ge [sflag:s31], $0x70  }
0x5c: {  	[sflag:s31] =	ssyncset.done $0x0  }
0x5d: {  	[sflag:s31] =	ssyncadd.s32 $0xFFFFFF90  }
0x5e: {  	_ =	swait.ge [sflag:s31], $0x70  }
0x5f: {  	[sflag:s31] =	ssyncset.done $0x0  }
0x60: {  	[sflag:s31] =	ssyncadd.s32 $0xFFFFFF90  }
0x61: {  	_ =	swait.ge [sflag:s31], $0x70  }
0x62: {  	[sflag:s31] =	ssyncset.done $0x0  }
0x63: {  	[sflag:s31] =	ssyncadd.s32 $0xFFFFFF90  }
0x64: {  	_ =	swait.ge [sflag:s31], $0x70  }
0x65: {  	[sflag:s31] =	ssyncset.done $0x0  }
0x66: {  	[sflag:s31] =	ssyncadd.s32 $0xFFFFFF90  }
0x67: {  	_ =	swait.ge [sflag:s30], $0x7000  }
0x68: {  	[sflag:s30] =	ssyncset.done $0x0  }
0x69: {  	[sflag:s30] =	ssyncadd.s32 $0xFFFF9000  }
0x6a: {  	_ =	swait.ge [sflag:s30], $0x7000  }
0x6b: {  	[sflag:s30] =	ssyncset.done $0x0  }
0x6c: {  	[sflag:s30] =	ssyncadd.s32 $0xFFFF9000  }
0x6d: {  	[hbm4b:s20+s4] =	stream.linear.scatter [tilespmem:s0], [sflag:$0x4], $0xE000, $0x38;
	[tilespmem:$0x1C800] =	vst v63  }
0x6e: {  	_ =	swait.ge [sflag:s6], $0xE000  }
0x6f: {  	[sflag:s6] =	ssyncset.done $0x0  }
0x70: {  	s12 =	simm.s32 $0x80;
	[sflag:s6] =	ssyncadd.s32 $0xFFFF2000  }
0x71: {  	[tilespmem:s0], [sflag:$0x2] =	stream.indirect.gather [hbm4b:s1+s2], $0x100, s12, s2, $0xb8;
	[tilespmem:$0x1C800] =	vst v63  }
0x72: {  	s13 =	simm.s32 $0x480  }
0x73: {  	[tilespmem:s26], [sflag:$0x2] =	stream.indirect.gather [hbm4b:s1+s2], $0x100, s13, s2, $0xb8;
	[tilespmem:$0x1C800] =	vst v63  }
0x74: {  	_ =	swait.ge [sflag:s7], $0x7000  }
0x75: {  	[sflag:s7] =	ssyncset.done $0x0  }
0x76: {  	[sflag:s7] =	ssyncadd.s32 $0xFFFF9000  }
0x77: {  	_ =	swait.ge [sflag:s7], $0x7000  }
0x78: {  	[sflag:s7] =	ssyncset.done $0x0  }
0x79: {  	[sflag:s7] =	ssyncadd.s32 $0xFFFF9000  }
0x7a: {  	[hbm4b:s24+s4] =	stream.linear.scatter [tilespmem:s28], [sflag:$0x5], $0xE000, $0x38;
	[tilespmem:$0x1C800] =	vst v63  }
0x7b: {  	_ =	swait.ge [sflag:s8], $0xE000  }
0x7c: {  	[sflag:s8] =	ssyncset.done $0x0  }
0x7d: {  	[sflag:s8] =	ssyncadd.s32 $0xFFFF2000  }
0x7e: {  	[tilespmem:s28], [sflag:$0x3] =	stream.indirect.gather [hbm4b:s19+s2], $0x100, s12, s2, $0xb8;
	[tilespmem:$0x1C800] =	vst v63  }
0x7f: {  	_ = 	snop  }
0x80: {  	[tilespmem:s29], [sflag:$0x3] =	stream.indirect.gather [hbm4b:s19+s2], $0x100, s13, s2, $0xb8;
	[tilespmem:$0x1C800] =	vst v63  }
0x81: {  	_ =	swait.ge [sflag:s30], $0x7000  }
0x82: {  	[sflag:s30] =	ssyncset.done $0x0  }
0x83: {  	[sflag:s30] =	ssyncadd.s32 $0xFFFF9000  }
0x84: {  	s10 =	simm.s32 $0x400;
	s14 =	smin.u32 s23, $0xC270;
	_ =	swait.ge [sflag:s30], $0x7000  }
0x85: {  	s11 =	sadd.s32 $0x1C00, s24;
	s12 =	sshll.u32 s14, $0x5;
	[sflag:s30] =	ssyncset.done $0x0  }
0x86: {  	s13 =	sadd.s32 s3, s12;
	s12 =	sadd.s32 $0xE0, s23;
	[sflag:s30] =	ssyncadd.s32 $0xFFFF9000  }
.LBB2_2:
0x87: {  	[hbm4b:s13+s4] =	stream.linear.scatter [tilespmem:s0], [sflag:$0x4], $0xE000, $0x38;
	[tilespmem:$0x1C800] =	vst v63  }
0x88: {  	s13 =	smov.u32 s10  }
0x89: {  	p0 =	sne.s32 s10, $0xC00;
	s10 =	sadd.s32 $0x200, s10;
	_ =	swait.ge [sflag:s6], $0xE000  }
0x8a: {  	[sflag:s6] =	ssyncset.done $0x0  }
0x8b: {  	s13 =	sshra.s32 s13, $0x2;
	[sflag:s6] =	ssyncadd.s32 $0xFFFF2000  }
0x8c: {  	[tilespmem:s0], [sflag:$0x2] =	stream.indirect.gather [hbm4b:s1+s2], $0x100, s13, s2, $0xb8;
	[tilespmem:$0x1C800] =	vst v63  }
0x8d: {  	s14 =	sadd.s32 $0x400, s13  }
0x8e: {  	[tilespmem:s26], [sflag:$0x2] =	stream.indirect.gather [hbm4b:s1+s2], $0x100, s14, s2, $0xb8;
	[tilespmem:$0x1C800] =	vst v63  }
0x8f: {  	_ =	swait.ge [sflag:s7], $0x7000  }
0x90: {  	[sflag:s7] =	ssyncset.done $0x0  }
0x91: {  	[sflag:s7] =	ssyncadd.s32 $0xFFFF9000  }
0x92: {  	_ =	swait.ge [sflag:s7], $0x7000  }
0x93: {  	[sflag:s7] =	ssyncset.done $0x0  }
0x94: {  	[sflag:s7] =	ssyncadd.s32 $0xFFFF9000  }
0x95: {  	[hbm4b:s11+s4] =	stream.linear.scatter [tilespmem:s28], [sflag:$0x5], $0xE000, $0x38;
	[tilespmem:$0x1C800] =	vst v63  }
0x96: {  	_ =	swait.ge [sflag:s8], $0xE000  }
0x97: {  	[sflag:s8] =	ssyncset.done $0x0  }
0x98: {  	[sflag:s8] =	ssyncadd.s32 $0xFFFF2000  }
0x99: {  	[tilespmem:s28], [sflag:$0x3] =	stream.indirect.gather [hbm4b:s19+s2], $0x100, s13, s2, $0xb8;
	[tilespmem:$0x1C800] =	vst v63  }
0x9a: {  	_ = 	snop  }
0x9b: {  	[tilespmem:s29], [sflag:$0x3] =	stream.indirect.gather [hbm4b:s19+s2], $0x100, s14, s2, $0xb8;
	[tilespmem:$0x1C800] =	vst v63  }
0x9c: {  	_ =	swait.ge [sflag:s30], $0x7000  }
.Ltmp0:
0x9d: {  	[sflag:s30] =	ssyncset.done $0x0;
	(pc) =	sbr.rel @p0 .LBB2_2-.Ltmp0, $4  }
0x9e: {  	[sflag:s30] =	ssyncadd.s32 $0xFFFF9000  }
0x9f: {  	s13 =	smin.u32 s12, $0xC270;
	_ =	swait.ge [sflag:s30], $0x7000  }
0xa0: {  	s11 =	sadd.s32 $0x1C00, s11;
	s13 =	sshll.u32 s13, $0x5;
	[sflag:s30] =	ssyncset.done $0x0  }
0xa1: {  	s12 =	sadd.s32 $0xE0, s12;
	s13 =	sadd.s32 s3, s13;
	[sflag:s30] =	ssyncadd.s32 $0xFFFF9000  }
0xa2: {  	[hbm4b:s13+s4] =	stream.linear.scatter [tilespmem:s0], [sflag:$0x4], $0xE000, $0x38;
	[tilespmem:$0x1C800] =	vst v63  }
0xa3: {  	_ =	swait.ge [sflag:s7], $0x7000  }
0xa4: {  	[sflag:s7] =	ssyncset.done $0x0  }
0xa5: {  	[sflag:s7] =	ssyncadd.s32 $0xFFFF9000  }
0xa6: {  	_ =	swait.ge [sflag:s7], $0x7000  }
0xa7: {  	[sflag:s7] =	ssyncset.done $0x0  }
0xa8: {  	s9 =	sadd.s32 $0x1, s9;
	[sflag:s7] =	ssyncadd.s32 $0xFFFF9000  }
0xa9: {  	[hbm4b:s21+s4] =	stream.linear.scatter [tilespmem:s28], [sflag:$0x5], $0xE000, $0x38;
	[tilespmem:$0x1C800] =	vst v63  }
0xaa: {  	p0 =	sne.s32 s9, s22;
	_ =	swait.ge [sflag:s6], $0xE000  }
.Ltmp1:
0xab: {  	[sflag:s6] =	ssyncset.done $0x0;
	(pc) =	sbr.rel @p0 .LBB2_1-.Ltmp1, $4  }
0xac: {  	[sflag:s6] =	ssyncadd.s32 $0xFFFF2000  }
0xad: {  	_ =	swait.ge [sflag:s8], $0xE000  }
0xae: {  	[sflag:s8] =	ssyncset.done $0x0  }
0xaf: {  	[sflag:s8] =	ssyncadd.s32 $0xFFFF2000  }
0xb0: {  	_ =	sfence.sel $0x180000  }
0xb1: {  	[bflag:$0x0] =	sbarrier.arrive $0xFFFF  }
0xb2: {  	_ =	strace $0x90000047  }
0xb3: {  	s0 =	stileid.u32;
	[bflag:$0x2] =	sbarrier.arrive $0xFFFF  }
0xb4: {  	p0 =	sne.s32 s0, $0x0;
	s0 =	rddreg [dreg:$0x3]  }
0xb5: {  	s0 =	sadd.s32 @!p0 $0x100000, s0  }
0xb6: {  	[sflag:s0] =	ssyncadd.tile.s32 @!p0 $0x1;
	_ =	shalt  }
.Lfunc_end2:
_tile_overlayer_lowered:
.L_overlay_start_2:
0xb7: {  	(tag) =	ssettag $0x2  }
0xb8: {  	s0 =	rddreg [dreg:$0x0];
	s2 =	stileid.u32  }
0xb9: {  	s1 =	rddreg [dreg:$0x1];
	p0 =	sne.s32 s2, $0x0  }
0xba: {  	s3 =	rddreg [dreg:$0x2];
	[bflag:$0x3] =	sbarrier.arrive $0xFFFF;
	s2 =	simm.s32 @!p0 $0x1C06  }
0xbb: {  	[timem:s3], [sflag:s2] =	dma.local @!p0 [hbm:s0], s1  }
0xbc: {  	s0 =	simm.s32 @!p0 $0x6  }
0xbd: {  	_ =	swait.ge @!p0 [sflag:s0], s1  }
0xbe: {  	s1 =	ssub.s32 @!p0 $0x0, s1;
	[sflag:s0] =	ssyncset.done @!p0 $0x0  }
0xbf: {  	[sflag:s0] =	ssyncadd.s32 @!p0 s1  }
0xc0: {  	[bflag:$0x3] =	sbarrier.arrive $0xFFFF  }
0xc1: {  	_ =	shalt  }

</sc_bundles>
